<compile_context>
chip_gen: v7x
topology: tpu7x:2x2x1
jax: 0.10.2.dev20260603
libtpu: 0.0.44.dev20260713+nightly
codegen_flags: <defaults>
</compile_context>

<pallas_src>
import functools

import jax
import jax.numpy as jnp
import numpy as np
from jax import lax
from jax.experimental import pallas as pl
from jax.experimental.pallas import tpu as pltpu

try:
    from jax.experimental.pallas import tpu_sc as plsc
    _HAS_SC = True
except ImportError:
    plsc = None
    _HAS_SC = False

NPOINT = 1024
RADIUS2 = np.float32(0.2 * 0.2)
NSAMPLE = 32
EPS = 1e-5
B, N, D = 16, 4096, 64
TBL_W = 80
P_TOT = np.float32(B * NPOINT * NSAMPLE)


def _fps_body(xyz_ref, nxyz_ref):
    x = xyz_ref[0]
    y = xyz_ref[1]
    z = xyz_ref[2]
    iota = lax.broadcasted_iota(jnp.int32, (B, N), 1)
    iota_s = lax.broadcasted_iota(jnp.int32, (B, NPOINT), 1)

    def body(i, carry):
        distance, far, nxa, nya, nza = carry
        eq = iota == far
        cx = jnp.sum(jnp.where(eq, x, 0.0), axis=1, keepdims=True)
        cy = jnp.sum(jnp.where(eq, y, 0.0), axis=1, keepdims=True)
        cz = jnp.sum(jnp.where(eq, z, 0.0), axis=1, keepdims=True)
        slot = iota_s == i
        nxa = jnp.where(slot, cx, nxa)
        nya = jnp.where(slot, cy, nya)
        nza = jnp.where(slot, cz, nza)
        dx = x - cx
        dy = y - cy
        dz = z - cz
        d = dx * dx + dy * dy + dz * dz
        distance = jnp.minimum(distance, d)
        m = jnp.max(distance, axis=1, keepdims=True)
        far_new = jnp.min(jnp.where(distance == m, iota, N), axis=1,
                          keepdims=True).astype(jnp.int32)
        return distance, far_new, nxa, nya, nza

    distance0 = jnp.full((B, N), 1e10, jnp.float32)
    far0 = jnp.zeros((B, 1), jnp.int32)
    z0 = jnp.zeros((B, NPOINT), jnp.float32)
    _, _, nxa, nya, nza = lax.fori_loop(
        0, NPOINT, body, (distance0, far0, z0, z0, z0))
    nxyz_ref[0] = nxa
    nxyz_ref[1] = nya
    nxyz_ref[2] = nza


def _run_fps(xyz_t, interpret=False):
    return pl.pallas_call(
        _fps_body,
        out_shape=jax.ShapeDtypeStruct((3, B, NPOINT), jnp.float32),
        interpret=interpret,
    )(xyz_t)


SBLK = 128


def _ballq_body(xyzb_ref, nxyz_ref, idx_ref, *, precision):
    b = pl.program_id(0)
    xb = xyzb_ref[0]
    nx = nxyz_ref[0]
    cx = nx[:, 0:1]
    cy = nx[:, 1:2]
    cz = nx[:, 2:3]
    ip = lax.dot_general(nx, xb, (((1,), (0,)), ((), ())),
                         preferred_element_type=jnp.float32,
                         precision=precision)
    csq = cx * cx + cy * cy + cz * cz
    xsq = jnp.sum(xb * xb, axis=0, keepdims=True)
    d = (-2.0 * ip + csq) + xsq
    iota = lax.broadcasted_iota(jnp.int32, (SBLK, N), 1)
    mn = jnp.min(d, axis=1, keepdims=True)
    n0 = jnp.min(jnp.where(d == mn, iota, N), axis=1, keepdims=True)
    base = b * N
    big = jnp.int32(2147483647)
    q = ((d + 0.002) * 1e7).astype(jnp.int32)
    ki = jnp.where(d <= RADIUS2, (q << 12) + iota, big)
    h = N // 2
    f = jnp.minimum(ki[:, :h], ki[:, h:])
    g = jnp.maximum(ki[:, :h], ki[:, h:])
    for k in range(NSAMPLE):
        m = jnp.min(f, axis=1, keepdims=True)
        sel = m & jnp.int32(0xFFF)
        out_k = jnp.where(m < big, sel, n0).astype(jnp.int32)
        idx_ref[0, :, k:k + 1] = out_k + base
        mask = f == m
        f = jnp.where(mask, g, f)
        g = jnp.where(mask, big, g)


def _run_ballq(xyzb, nxyz, interpret=False, precision=None):
    nblk = NPOINT // SBLK
    return pl.pallas_call(
        functools.partial(_ballq_body, precision=precision),
        grid=(B, nblk),
        in_specs=[
            pl.BlockSpec((1, 3, N), lambda b, j: (b, 0, 0)),
            pl.BlockSpec((1, SBLK, 3), lambda b, j: (b, j, 0)),
        ],
        out_specs=pl.BlockSpec((1, SBLK, NSAMPLE), lambda b, j: (b, j, 0)),
        out_shape=jax.ShapeDtypeStruct((B, NPOINT, NSAMPLE), jnp.int32),
        interpret=interpret,
    )(xyzb, nxyz)


GCHUNK = 128


def _make_sc_gather():
    info = plsc.get_sparse_core_info()
    nc, ns = info.num_cores, info.num_subcores
    nw = nc * ns
    rows_total = B * NPOINT * NSAMPLE
    rows_per_w = rows_total // nw
    nchunk = rows_per_w // GCHUNK
    mesh = plsc.VectorSubcoreMesh(core_axis_name="c", subcore_axis_name="s")

    @functools.partial(
        pl.kernel,
        mesh=mesh,
        compiler_params=pltpu.CompilerParams(use_tc_tiling_on_sc=False),
        out_type=jax.ShapeDtypeStruct((rows_total, TBL_W), jnp.float32),
        scratch_types=[
            pltpu.VMEM((GCHUNK,), jnp.int32),
            pltpu.VMEM((GCHUNK, TBL_W), jnp.float32),
            pltpu.SemaphoreType.DMA,
        ],
    )
    def sc_gather(table_hbm, idx_hbm, out_hbm, idx_v, rows_v, sem):
        wid = lax.axis_index("s") * nc + lax.axis_index("c")
        w_base = wid * rows_per_w

        def chunk(t, carry):
            base = w_base + t * GCHUNK
            pltpu.sync_copy(idx_hbm.at[pl.ds(base, GCHUNK)], idx_v)
            pltpu.async_copy(table_hbm.at[idx_v], rows_v, sem).wait()
            pltpu.sync_copy(rows_v, out_hbm.at[pl.ds(base, GCHUNK)])
            return carry

        lax.fori_loop(0, nchunk, chunk, 0)

    return sc_gather


RBLK = 128


def _passA_body(g_ref, nx_ref, w_ref, wx_ref, b_ref, x1_ref, st_ref):
    i = pl.program_id(0)
    g = g_ref[...]
    w = w_ref[...]
    x1 = lax.dot_general(g, w, (((2,), (0,)), ((), ())),
                         preferred_element_type=jnp.float32)
    corr = lax.dot_general(nx_ref[...], wx_ref[...], (((1,), (0,)), ((), ())),
                           preferred_element_type=jnp.float32)
    x1 = x1 + jnp.reshape(b_ref[...], (1, 1, -1)) - corr[:, None, :]
    x1_ref[...] = x1
    s1 = jnp.sum(x1, axis=(0, 1)).reshape(1, -1)
    s2 = jnp.sum(x1 * x1, axis=(0, 1)).reshape(1, -1)
    st = jnp.concatenate([s1, s2], axis=0)

    @pl.when(i == 0)
    def _():
        st_ref[...] = st

    @pl.when(i > 0)
    def _():
        st_ref[...] = st_ref[...] + st


def _bn_relu(x, st_ref, gamma_ref, beta_ref):
    mean = st_ref[0:1, :] / P_TOT
    var = st_ref[1:2, :] / P_TOT - mean * mean
    scale = gamma_ref[...] / jnp.sqrt(var + EPS)
    shift = beta_ref[...] - mean * scale
    c = x.shape[-1]
    h = x * jnp.reshape(scale, (1, 1, c)) + jnp.reshape(shift, (1, 1, c))
    return jnp.maximum(h, 0.0)


def _passB_body(x1_ref, st1_ref, g0_ref, be0_ref, w_ref, b_ref,
                x2_ref, st_ref):
    i = pl.program_id(0)
    h1 = _bn_relu(x1_ref[...], st1_ref, g0_ref, be0_ref)
    x2 = lax.dot_general(h1, w_ref[...], (((2,), (0,)), ((), ())),
                         preferred_element_type=jnp.float32)
    x2 = x2 + jnp.reshape(b_ref[...], (1, 1, -1))
    x2_ref[...] = x2
    s1 = jnp.sum(x2, axis=(0, 1)).reshape(1, -1)
    s2 = jnp.sum(x2 * x2, axis=(0, 1)).reshape(1, -1)
    st = jnp.concatenate([s1, s2], axis=0)

    @pl.when(i == 0)
    def _():
        st_ref[...] = st

    @pl.when(i > 0)
    def _():
        st_ref[...] = st_ref[...] + st


def _passC_body(x2_ref, st2_ref, g1_ref, be1_ref, w_ref, b_ref, st_ref):
    i = pl.program_id(0)
    h2 = _bn_relu(x2_ref[...], st2_ref, g1_ref, be1_ref)
    x3 = lax.dot_general(h2, w_ref[...], (((2,), (0,)), ((), ())),
                         preferred_element_type=jnp.float32)
    x3 = x3 + jnp.reshape(b_ref[...], (1, 1, -1))
    s1 = jnp.sum(x3, axis=(0, 1)).reshape(1, -1)
    s2 = jnp.sum(x3 * x3, axis=(0, 1)).reshape(1, -1)
    st = jnp.concatenate([s1, s2], axis=0)

    @pl.when(i == 0)
    def _():
        st_ref[...] = st

    @pl.when(i > 0)
    def _():
        st_ref[...] = st_ref[...] + st


def _passD_body(x2_ref, st2_ref, g1_ref, be1_ref, w_ref, b_ref,
                st3_ref, g2_ref, be2_ref, out_ref):
    h2 = _bn_relu(x2_ref[...], st2_ref, g1_ref, be1_ref)
    x3 = lax.dot_general(h2, w_ref[...], (((2,), (0,)), ((), ())),
                         preferred_element_type=jnp.float32)
    x3 = x3 + jnp.reshape(b_ref[...], (1, 1, -1))
    h3 = _bn_relu(x3, st3_ref, g2_ref, be2_ref)
    out_ref[...] = jnp.max(h3, axis=1)


def _vec_spec(c):
    return pl.BlockSpec((1, c), lambda i: (0, 0))


def _mat_spec(r, c):
    return pl.BlockSpec((r, c), lambda i: (0, 0))


def _run_mlp(g, nxyz_rows, w0p_t, w0x_t, b0, g0, be0, w1_t, b1, g1, be1,
             w2_t, b2, g2, be2, interpret=False):
    s_tot = B * NPOINT
    nblk = s_tot // RBLK
    c1, c2, c3 = w0p_t.shape[1], w1_t.shape[1], w2_t.shape[1]

    x1, st1 = pl.pallas_call(
        _passA_body,
        grid=(nblk,),
        in_specs=[
            pl.BlockSpec((RBLK, NSAMPLE, TBL_W), lambda i: (i, 0, 0)),
            pl.BlockSpec((RBLK, 3), lambda i: (i, 0)),
            _mat_spec(TBL_W, c1),
            _mat_spec(3, c1),
            _vec_spec(c1),
        ],
        out_specs=(
            pl.BlockSpec((RBLK, NSAMPLE, c1), lambda i: (i, 0, 0)),
            _mat_spec(2, c1),
        ),
        out_shape=(
            jax.ShapeDtypeStruct((s_tot, NSAMPLE, c1), jnp.float32),
            jax.ShapeDtypeStruct((2, c1), jnp.float32),
        ),
        interpret=interpret,
    )(g, nxyz_rows, w0p_t, w0x_t, b0)

    x2, st2 = pl.pallas_call(
        _passB_body,
        grid=(nblk,),
        in_specs=[
            pl.BlockSpec((RBLK, NSAMPLE, c1), lambda i: (i, 0, 0)),
            _mat_spec(2, c1),
            _vec_spec(c1),
            _vec_spec(c1),
            _mat_spec(c1, c2),
            _vec_spec(c2),
        ],
        out_specs=(
            pl.BlockSpec((RBLK, NSAMPLE, c2), lambda i: (i, 0, 0)),
            _mat_spec(2, c2),
        ),
        out_shape=(
            jax.ShapeDtypeStruct((s_tot, NSAMPLE, c2), jnp.float32),
            jax.ShapeDtypeStruct((2, c2), jnp.float32),
        ),
        interpret=interpret,
    )(x1, st1, g0, be0, w1_t, b1)

    st3 = pl.pallas_call(
        _passC_body,
        grid=(nblk,),
        in_specs=[
            pl.BlockSpec((RBLK, NSAMPLE, c2), lambda i: (i, 0, 0)),
            _mat_spec(2, c2),
            _vec_spec(c2),
            _vec_spec(c2),
            _mat_spec(c2, c3),
            _vec_spec(c3),
        ],
        out_specs=_mat_spec(2, c3),
        out_shape=jax.ShapeDtypeStruct((2, c3), jnp.float32),
        interpret=interpret,
    )(x2, st2, g1, be1, w2_t, b2)

    out = pl.pallas_call(
        _passD_body,
        grid=(nblk,),
        in_specs=[
            pl.BlockSpec((RBLK, NSAMPLE, c2), lambda i: (i, 0, 0)),
            _mat_spec(2, c2),
            _vec_spec(c2),
            _vec_spec(c2),
            _mat_spec(c2, c3),
            _vec_spec(c3),
            _mat_spec(2, c3),
            _vec_spec(c3),
            _vec_spec(c3),
        ],
        out_specs=pl.BlockSpec((RBLK, c3), lambda i: (i, 0)),
        out_shape=jax.ShapeDtypeStruct((s_tot, c3), jnp.float32),
        interpret=interpret,
    )(x2, st2, g1, be1, w2_t, b2, st3, g2, be2)

    return out


@jax.jit
def kernel(xyz, points, W0, b0, gamma0, beta0, W1, b1, gamma1, beta1,
           W2, b2, gamma2, beta2):
    xyz_t = jnp.transpose(xyz, (2, 0, 1))
    nxyz_t = _run_fps(xyz_t)
    new_xyz = jnp.transpose(nxyz_t, (1, 2, 0))

    idx = _run_ballq(jnp.transpose(xyz, (0, 2, 1)), new_xyz)
    idx_flat = idx.reshape(-1)

    table = jnp.concatenate(
        [xyz, points, jnp.zeros((B, N, TBL_W - 3 - D), jnp.float32)],
        axis=-1).reshape(B * N, TBL_W)
    g_rows = _make_sc_gather()(table, idx_flat)
    g = g_rows.reshape(B * NPOINT, NSAMPLE, TBL_W)

    c1 = W0.shape[0]
    w0p_t = jnp.concatenate(
        [W0, jnp.zeros((c1, TBL_W - 3 - D), jnp.float32)], axis=1).T
    w0x_t = W0[:, :3].T

    nxyz_rows = new_xyz.reshape(B * NPOINT, 3)
    out = _run_mlp(
        g, nxyz_rows, w0p_t, w0x_t, b0.reshape(1, -1),
        gamma0.reshape(1, -1), beta0.reshape(1, -1), W1.T, b1.reshape(1, -1),
        gamma1.reshape(1, -1), beta1.reshape(1, -1), W2.T, b2.reshape(1, -1),
        gamma2.reshape(1, -1), beta2.reshape(1, -1))
    x = out.reshape(B, NPOINT, -1)
    return (new_xyz, x)

# --- scband reference (transcript-rebuilt; emitter-appended) ---
"""Pipeline reference for scband-point-net-set-abstraction-30056181138038 (READ-ONLY COPY).

The authoritative reference and input builder live on the scoring server;
editing this copy changes nothing except your own understanding.
"""

import jax, jax.numpy as jnp
import numpy as np

NPOINT = 1024
RADIUS = 0.2
NSAMPLE = 32
MLP = (64, 64, 128)
EPS = 1e-5


def square_distance(src, dst):
    dist = -2.0 * jnp.matmul(src, jnp.swapaxes(dst, 2, 1))
    dist = dist + jnp.sum(src ** 2, axis=-1, keepdims=True)
    dist = dist + jnp.sum(dst ** 2, axis=-1)[:, None, :]
    return dist


def index_points(points, idx):
    if idx.ndim == 2:
        return jnp.take_along_axis(points, idx[:, :, None], axis=1)
    B, S, K = idx.shape
    flat = idx.reshape(B, S * K)
    out = jnp.take_along_axis(points, flat[:, :, None], axis=1)
    return out.reshape(B, S, K, points.shape[-1])


def farthest_point_sample(xyz, npoint):
    B, N, _ = xyz.shape
    batch_idx = jnp.arange(B)

    def body(i, state):
        centroids, distance, farthest = state
        centroids = centroids.at[:, i].set(farthest)
        centroid = xyz[batch_idx, farthest, :][:, None, :]
        dist = jnp.sum((xyz - centroid) ** 2, axis=-1)
        distance = jnp.minimum(distance, dist)
        farthest = jnp.argmax(distance, axis=-1).astype(jnp.int32)
        return (centroids, distance, farthest)

    centroids = jnp.zeros((B, npoint), dtype=jnp.int32)
    distance = jnp.full((B, N), 1e10, dtype=jnp.float32)
    farthest = jnp.zeros((B,), dtype=jnp.int32)  # deterministic start (torch uses randint)
    centroids, _, _ = jax.lax.fori_loop(0, npoint, body, (centroids, distance, farthest))
    return centroids


def query_ball_point(radius, nsample, xyz, new_xyz):
    dist2 = square_distance(new_xyz, xyz)
    group_idx = jnp.argsort(dist2, axis=-1)[:, :, :nsample]
    group_dist2 = jnp.take_along_axis(dist2, group_idx, axis=-1)
    mask = group_dist2 > radius * radius
    first = jnp.broadcast_to(group_idx[:, :, 0:1], group_idx.shape)
    return jnp.where(mask, first, group_idx)


def sample_and_group(npoint, radius, nsample, xyz, points):
    fps_idx = farthest_point_sample(jax.lax.stop_gradient(xyz), npoint)
    new_xyz = index_points(xyz, fps_idx)
    idx = query_ball_point(radius, nsample, jax.lax.stop_gradient(xyz), jax.lax.stop_gradient(new_xyz))
    grouped_xyz = index_points(xyz, idx)
    grouped_xyz_norm = grouped_xyz - new_xyz[:, :, None, :]
    grouped_points = index_points(points, idx)
    new_points = jnp.concatenate([grouped_xyz_norm, grouped_points], axis=-1)
    return new_xyz, new_points


def mlp_bn_relu(x, W, b, gamma, beta):
    # 1x1 Conv2d == per-point linear; BatchNorm2d in training mode (batch stats)
    x = jnp.matmul(x, W.T) + b
    mean = jnp.mean(x, axis=(0, 1, 2), keepdims=True)
    var = jnp.var(x, axis=(0, 1, 2), keepdims=True)
    x = (x - mean) / jnp.sqrt(var + EPS) * gamma + beta
    return jax.nn.relu(x)


def setup_inputs(seed: int = 0):
    key = jax.random.key(seed)
    ks = jax.random.split(key, 8)
    B, N, D = 16, 4096, 64
    inp = {
        "xyz": jax.random.uniform(ks[0], (B, N, 3), dtype=jnp.float32),
        "points": jax.random.normal(ks[1], (B, N, D), dtype=jnp.float32),
    }
    last = 3 + D
    for i, oc in enumerate(MLP):
        inp[f"W{i}"] = jax.random.normal(ks[2 + i], (oc, last), dtype=jnp.float32) * (1.0 / np.sqrt(last))
        inp[f"b{i}"] = jnp.zeros((oc,), dtype=jnp.float32)
        inp[f"gamma{i}"] = jnp.ones((oc,), dtype=jnp.float32)
        inp[f"beta{i}"] = jnp.zeros((oc,), dtype=jnp.float32)
        last = oc
    return inp


def reference(xyz, points, W0, b0, gamma0, beta0, W1, b1, gamma1, beta1, W2, b2, gamma2, beta2):
    new_xyz, new_points = sample_and_group(NPOINT, RADIUS, NSAMPLE, xyz, points)
    x = new_points  # [B, S, K, C]
    for W, b, g, be in ((W0, b0, gamma0, beta0), (W1, b1, gamma1, beta1), (W2, b2, gamma2, beta2)):
        x = mlp_bn_relu(x, W, b, g, be)
    x = jnp.max(x, axis=2)  # max over nsample
    return (new_xyz, x)

if __name__ == "__main__":
    import jax
    _d = setup_inputs()
    print(jax.jit(kernel)(*tuple(_d.values())))

</pallas_src>

<mosaic_0001>
#map = affine_map<(d0, d1) -> (0, 0)>
#map1 = affine_map<(d0, d1) -> (0)>
module attributes {stable_mosaic.version = 14 : i64} {
  func.func @sc_gather(%arg0: i32, %arg1: i32, %arg2: memref<65536x80xf32, #tpu.memory_space<hbm>>, %arg3: memref<524288xi32, #tpu.memory_space<hbm>>, %arg4: memref<524288x80xf32, #tpu.memory_space<hbm>>, %arg5: memref<128xi32, #tpu.memory_space<vmem>>, %arg6: memref<128x80xf32, #tpu.memory_space<vmem>>, %arg7: memref<!tpu.dma_semaphore, #tpu.memory_space<semaphore_mem>>) attributes {dimension_semantics = [#tpu.dimension_semantics<core_parallel>, #tpu.dimension_semantics<subcore_parallel>], iteration_bounds = array<i64: 2, 16>, scalar_prefetch = 0 : i64, scratch_operands = 3 : i64, tpu.core_type = #tpu.core_type<sc_vector_subcore>, window_params = [{transform_indices = #map}, {transform_indices = #map1}, {transform_indices = #map}]} {
    %mul3A = arith.constant 2 : i32
    %mul3A_0 = arith.muli %arg1, %mul3A : i32
    %add3A = arith.addi %mul3A_0, %arg0 : i32
    %mul3A_1 = arith.constant 16384 : i32
    %mul3A_2 = arith.muli %add3A, %mul3A_1 : i32
    %scan3A = arith.constant 0 : i32
    %scan3A_3 = arith.constant 0 : i32
    %scan3A_4 = arith.constant 128 : i32
    %scan3A_5 = arith.addi %scan3A_3, %scan3A_4 : i32
    %scan3A_6 = arith.constant 1 : i32
    scf.for %scan3A_8 = %scan3A_3 to %scan3A_5 step %scan3A_6  : i32 {
      %mul3A_9 = arith.constant 128 : i32
      %mul3A_10 = arith.muli %scan3A_8, %mul3A_9 : i32
      %add3A_11 = arith.addi %mul3A_2, %mul3A_10 : i32
      "tpu.region"() ({
        %run_scoped3A = tpu.sem_alloc : memref<!tpu.dma_semaphore, #tpu.memory_space<semaphore_mem>>
        %dma_start3A_16 = tpu.memref_slice %arg3[%add3A_11] : memref<524288xi32, #tpu.memory_space<hbm>> -> memref<128xi32, #tpu.memory_space<hbm>>
        %dma_start3A_17 = tpu.memref_slice %arg3[%add3A_11] : memref<524288xi32, #tpu.memory_space<hbm>> -> memref<128xi32, #tpu.memory_space<hbm>>
        tpu.enqueue_dma source(%dma_start3A_17 : memref<128xi32, #tpu.memory_space<hbm>>) target(%arg5 : memref<128xi32, #tpu.memory_space<vmem>>) target_semaphore(%run_scoped3A : memref<!tpu.dma_semaphore, #tpu.memory_space<semaphore_mem>>)
        %dma_wait3A_18 = tpu.memref_slice %arg3[%add3A_11] : memref<524288xi32, #tpu.memory_space<hbm>> -> memref<128xi32, #tpu.memory_space<hbm>>
        %dma_wait3A_19 = tpu.memref_slice %arg3[%add3A_11] : memref<524288xi32, #tpu.memory_space<hbm>> -> memref<128xi32, #tpu.memory_space<hbm>>
        tpu.wait_dma2 semaphore(%run_scoped3A : memref<!tpu.dma_semaphore, #tpu.memory_space<semaphore_mem>>) src(%dma_wait3A_19 : memref<128xi32, #tpu.memory_space<hbm>>) dst(%arg5 : memref<128xi32, #tpu.memory_space<vmem>>)
        tpu.yield
      }) : () -> ()
      %dma_start3A = arith.constant 0 : i32
      %dma_start3A_12 = arith.constant 0 : i32
      %dma_start3A_13 = tpu.memref_slice %arg2[%dma_start3A, %dma_start3A_12] : memref<65536x80xf32, #tpu.memory_space<hbm>> -> memref<65536x80xf32, #tpu.memory_space<hbm>>
      tpu.enqueue_indirect_dma source(%dma_start3A_13 : memref<65536x80xf32, #tpu.memory_space<hbm>>) target(%arg6 : memref<128x80xf32, #tpu.memory_space<vmem>>) offsets(%arg5 : memref<128xi32, #tpu.memory_space<vmem>>) semaphore(%arg7 : memref<!tpu.dma_semaphore, #tpu.memory_space<semaphore_mem>>)
      %dma_wait3A = arith.constant 0 : i32
      %dma_wait3A_14 = arith.constant 0 : i32
      %dma_wait3A_15 = tpu.memref_slice %arg2[%dma_wait3A, %dma_wait3A_14] : memref<65536x80xf32, #tpu.memory_space<hbm>> -> memref<65536x80xf32, #tpu.memory_space<hbm>>
      tpu.wait_indirect_dma semaphore(%arg7 : memref<!tpu.dma_semaphore, #tpu.memory_space<semaphore_mem>>) src(%dma_wait3A_15 : memref<65536x80xf32, #tpu.memory_space<hbm>>) dst(%arg6 : memref<128x80xf32, #tpu.memory_space<vmem>>)
      "tpu.region"() ({
        %run_scoped3A = tpu.sem_alloc : memref<!tpu.dma_semaphore, #tpu.memory_space<semaphore_mem>>
        %dma_start3A_16 = arith.constant 0 : i32
        %dma_start3A_17 = tpu.memref_slice %arg4[%add3A_11, %dma_start3A_16] : memref<524288x80xf32, #tpu.memory_space<hbm>> -> memref<128x80xf32, #tpu.memory_space<hbm>>
        %dma_start3A_18 = arith.constant 0 : i32
        %dma_start3A_19 = tpu.memref_slice %arg4[%add3A_11, %dma_start3A_18] : memref<524288x80xf32, #tpu.memory_space<hbm>> -> memref<128x80xf32, #tpu.memory_space<hbm>>
        tpu.enqueue_dma source(%arg6 : memref<128x80xf32, #tpu.memory_space<vmem>>) target(%dma_start3A_19 : memref<128x80xf32, #tpu.memory_space<hbm>>) target_semaphore(%run_scoped3A : memref<!tpu.dma_semaphore, #tpu.memory_space<semaphore_mem>>)
        %dma_wait3A_20 = arith.constant 0 : i32
        %dma_wait3A_21 = tpu.memref_slice %arg4[%add3A_11, %dma_wait3A_20] : memref<524288x80xf32, #tpu.memory_space<hbm>> -> memref<128x80xf32, #tpu.memory_space<hbm>>
        %dma_wait3A_22 = arith.constant 0 : i32
        %dma_wait3A_23 = tpu.memref_slice %arg4[%add3A_11, %dma_wait3A_22] : memref<524288x80xf32, #tpu.memory_space<hbm>> -> memref<128x80xf32, #tpu.memory_space<hbm>>
        tpu.wait_dma2 semaphore(%run_scoped3A : memref<!tpu.dma_semaphore, #tpu.memory_space<semaphore_mem>>) src(%arg6 : memref<128x80xf32, #tpu.memory_space<vmem>>) dst(%dma_wait3A_23 : memref<128x80xf32, #tpu.memory_space<hbm>>)
        tpu.yield
      }) : () -> ()
    }
    %scan3A_7 = arith.constant 128 : i32
    return
  }
}

module attributes {stable_mosaic.version = 14 : i64} {
  func.func @_fps_body(%arg0: memref<3x16x4096xf32, #tpu.memory_space<vmem>>, %arg1: memref<3x16x1024xf32, #tpu.memory_space<vmem>>) attributes {dimension_semantics = [], scalar_prefetch = 0 : i64, scratch_operands = 0 : i64, tpu.core_type = #tpu.core_type<tc>} {
    %get3A = arith.constant 0 : index
    %get3A_0 = arith.constant 0 : index
    %get3A_1 = arith.constant 0 : index
    %get3A_2 = vector.load %arg0[%get3A, %get3A_0, %get3A_1] : memref<3x16x4096xf32, #tpu.memory_space<vmem>>, vector<1x16x4096xf32>
    %get3A_3 = vector.shape_cast %get3A_2 : vector<1x16x4096xf32> to vector<16x4096xf32>
    %get3A_4 = arith.constant 1 : index
    %get3A_5 = arith.constant 0 : index
    %get3A_6 = arith.constant 0 : index
    %get3A_7 = vector.load %arg0[%get3A_4, %get3A_5, %get3A_6] : memref<3x16x4096xf32, #tpu.memory_space<vmem>>, vector<1x16x4096xf32>
    %get3A_8 = vector.shape_cast %get3A_7 : vector<1x16x4096xf32> to vector<16x4096xf32>
    %get3A_9 = arith.constant 2 : index
    %get3A_10 = arith.constant 0 : index
    %get3A_11 = arith.constant 0 : index
    %get3A_12 = vector.load %arg0[%get3A_9, %get3A_10, %get3A_11] : memref<3x16x4096xf32, #tpu.memory_space<vmem>>, vector<1x16x4096xf32>
    %get3A_13 = vector.shape_cast %get3A_12 : vector<1x16x4096xf32> to vector<16x4096xf32>
    %iota3A = tpu.iota {dimensions = array<i32: 1>} : vector<16x4096xi32>
    %iota3A_14 = tpu.iota {dimensions = array<i32: 1>} : vector<16x1024xi32>
    %broadcast_in_dim3A = arith.constant 1.000000e+10 : f32
    %broadcast_in_dim3A_15 = vector.broadcast %broadcast_in_dim3A : f32 to vector<16x4096xf32>
    %broadcast_in_dim3A_16 = arith.constant 0 : i32
    %broadcast_in_dim3A_17 = vector.broadcast %broadcast_in_dim3A_16 : i32 to vector<16x1xi32>
    %broadcast_in_dim3A_18 = arith.constant 0.000000e+00 : f32
    %broadcast_in_dim3A_19 = vector.broadcast %broadcast_in_dim3A_18 : f32 to vector<16x1024xf32>
    %scan3A = arith.constant 0 : i32
    %scan3A_20 = arith.constant 1024 : i32
    %scan3A_21 = arith.addi %scan3A, %scan3A_20 : i32
    %scan3A_22 = arith.constant 1 : i32
    %scan3A_23:5 = scf.for %scan3A_42 = %scan3A to %scan3A_21 step %scan3A_22 iter_args(%scan3A_43 = %broadcast_in_dim3A_15, %scan3A_44 = %broadcast_in_dim3A_17, %scan3A_45 = %broadcast_in_dim3A_19, %scan3A_46 = %broadcast_in_dim3A_19, %scan3A_47 = %broadcast_in_dim3A_19) -> (vector<16x4096xf32>, vector<16x1xi32>, vector<16x1024xf32>, vector<16x1024xf32>, vector<16x1024xf32>)  : i32 {
      %eq3A = vector.broadcast %scan3A_44 : vector<16x1xi32> to vector<16x4096xi32>
      %eq3A_48 = arith.cmpi eq, %iota3A, %eq3A : vector<16x4096xi32>
      %jit3A = arith.constant 0.000000e+00 : f32
      %broadcast_in_dim3A_49 = vector.broadcast %jit3A : f32 to vector<16x4096xf32>
      %select_n3A = arith.select %eq3A_48, %get3A_3, %broadcast_in_dim3A_49 : vector<16x4096xi1>, vector<16x4096xf32>
      %reduce_sum3A = arith.constant dense<0.000000e+00> : vector<16xf32>
      %reduce_sum3A_50 = vector.multi_reduction <add>, %select_n3A, %reduce_sum3A [1] : vector<16x4096xf32> to vector<16xf32>
      %broadcast_in_dim3A_51 = vector.shape_cast %reduce_sum3A_50 : vector<16xf32> to vector<16x1xf32>
      %jit3A_52 = arith.constant 0.000000e+00 : f32
      %broadcast_in_dim3A_53 = vector.broadcast %jit3A_52 : f32 to vector<16x4096xf32>
      %select_n3A_54 = arith.select %eq3A_48, %get3A_8, %broadcast_in_dim3A_53 : vector<16x4096xi1>, vector<16x4096xf32>
      %reduce_sum3A_55 = arith.constant dense<0.000000e+00> : vector<16xf32>
      %reduce_sum3A_56 = vector.multi_reduction <add>, %select_n3A_54, %reduce_sum3A_55 [1] : vector<16x4096xf32> to vector<16xf32>
      %broadcast_in_dim3A_57 = vector.shape_cast %reduce_sum3A_56 : vector<16xf32> to vector<16x1xf32>
      %jit3A_58 = arith.constant 0.000000e+00 : f32
      %broadcast_in_dim3A_59 = vector.broadcast %jit3A_58 : f32 to vector<16x4096xf32>
      %select_n3A_60 = arith.select %eq3A_48, %get3A_13, %broadcast_in_dim3A_59 : vector<16x4096xi1>, vector<16x4096xf32>
      %reduce_sum3A_61 = arith.constant dense<0.000000e+00> : vector<16xf32>
      %reduce_sum3A_62 = vector.multi_reduction <add>, %select_n3A_60, %reduce_sum3A_61 [1] : vector<16x4096xf32> to vector<16xf32>
      %broadcast_in_dim3A_63 = vector.shape_cast %reduce_sum3A_62 : vector<16xf32> to vector<16x1xf32>
      %eq3A_64 = vector.broadcast %scan3A_42 : i32 to vector<16x1024xi32>
      %eq3A_65 = arith.cmpi eq, %iota3A_14, %eq3A_64 : vector<16x1024xi32>
      %broadcast_in_dim3A_66 = vector.shape_cast %broadcast_in_dim3A_51 : vector<16x1xf32> to vector<16x1xf32>
      %broadcast_in_dim3A_67 = vector.broadcast %broadcast_in_dim3A_66 : vector<16x1xf32> to vector<16x1024xf32>
      %select_n3A_68 = arith.select %eq3A_65, %broadcast_in_dim3A_67, %scan3A_45 : vector<16x1024xi1>, vector<16x1024xf32>
      %broadcast_in_dim3A_69 = vector.shape_cast %broadcast_in_dim3A_57 : vector<16x1xf32> to vector<16x1xf32>
      %broadcast_in_dim3A_70 = vector.broadcast %broadcast_in_dim3A_69 : vector<16x1xf32> to vector<16x1024xf32>
      %select_n3A_71 = arith.select %eq3A_65, %broadcast_in_dim3A_70, %scan3A_46 : vector<16x1024xi1>, vector<16x1024xf32>
      %broadcast_in_dim3A_72 = vector.shape_cast %broadcast_in_dim3A_63 : vector<16x1xf32> to vector<16x1xf32>
      %broadcast_in_dim3A_73 = vector.broadcast %broadcast_in_dim3A_72 : vector<16x1xf32> to vector<16x1024xf32>
      %select_n3A_74 = arith.select %eq3A_65, %broadcast_in_dim3A_73, %scan3A_47 : vector<16x1024xi1>, vector<16x1024xf32>
      %sub3A = vector.broadcast %broadcast_in_dim3A_51 : vector<16x1xf32> to vector<16x4096xf32>
      %sub3A_75 = arith.subf %get3A_3, %sub3A : vector<16x4096xf32>
      %sub3A_76 = vector.broadcast %broadcast_in_dim3A_57 : vector<16x1xf32> to vector<16x4096xf32>
      %sub3A_77 = arith.subf %get3A_8, %sub3A_76 : vector<16x4096xf32>
      %sub3A_78 = vector.broadcast %broadcast_in_dim3A_63 : vector<16x1xf32> to vector<16x4096xf32>
      %sub3A_79 = arith.subf %get3A_13, %sub3A_78 : vector<16x4096xf32>
      %mul3A = arith.mulf %sub3A_75, %sub3A_75 : vector<16x4096xf32>
      %mul3A_80 = arith.mulf %sub3A_77, %sub3A_77 : vector<16x4096xf32>
      %add3A = arith.addf %mul3A, %mul3A_80 : vector<16x4096xf32>
      %mul3A_81 = arith.mulf %sub3A_79, %sub3A_79 : vector<16x4096xf32>
      %add3A_82 = arith.addf %add3A, %mul3A_81 : vector<16x4096xf32>
      %min3A = arith.minimumf %scan3A_43, %add3A_82 : vector<16x4096xf32>
      %reduce_max3A = arith.constant dense<0xFF800000> : vector<16xf32>
      %reduce_max3A_83 = vector.multi_reduction <maximumf>, %min3A, %reduce_max3A [1] : vector<16x4096xf32> to vector<16xf32>
      %broadcast_in_dim3A_84 = vector.shape_cast %reduce_max3A_83 : vector<16xf32> to vector<16x1xf32>
      %eq3A_85 = vector.broadcast %broadcast_in_dim3A_84 : vector<16x1xf32> to vector<16x4096xf32>
      %eq3A_86 = arith.cmpf oeq, %min3A, %eq3A_85 : vector<16x4096xf32>
      %jit3A_87 = arith.constant 4096 : i32
      %broadcast_in_dim3A_88 = vector.broadcast %jit3A_87 : i32 to vector<16x4096xi32>
      %select_n3A_89 = arith.select %eq3A_86, %iota3A, %broadcast_in_dim3A_88 : vector<16x4096xi1>, vector<16x4096xi32>
      %reduce_min3A = arith.constant dense<2147483647> : vector<16xi32>
      %reduce_min3A_90 = vector.multi_reduction <minsi>, %select_n3A_89, %reduce_min3A [1] : vector<16x4096xi32> to vector<16xi32>
      %broadcast_in_dim3A_91 = vector.shape_cast %reduce_min3A_90 : vector<16xi32> to vector<16x1xi32>
      scf.yield %min3A, %broadcast_in_dim3A_91, %select_n3A_68, %select_n3A_71, %select_n3A_74 : vector<16x4096xf32>, vector<16x1xi32>, vector<16x1024xf32>, vector<16x1024xf32>, vector<16x1024xf32>
    }
    %scan3A_24 = arith.constant 1024 : i32
    %swap3A = arith.constant 0 : index
    %swap3A_25 = arith.constant 0 : index
    %swap3A_26 = arith.constant 0 : index
    %swap3A_27 = vector.load %arg1[%swap3A, %swap3A_25, %swap3A_26] : memref<3x16x1024xf32, #tpu.memory_space<vmem>>, vector<1x16x1024xf32>
    %swap3A_28 = vector.shape_cast %swap3A_27 : vector<1x16x1024xf32> to vector<16x1024xf32>
    %swap3A_29 = vector.shape_cast %scan3A_23#2 : vector<16x1024xf32> to vector<1x16x1024xf32>
    tpu.vector_store %arg1[%swap3A, %swap3A_25, %swap3A_26], %swap3A_29 {strides = array<i32>} : memref<3x16x1024xf32, #tpu.memory_space<vmem>>, vector<1x16x1024xf32>,
    %swap3A_30 = arith.constant 1 : index
    %swap3A_31 = arith.constant 0 : index
    %swap3A_32 = arith.constant 0 : index
    %swap3A_33 = vector.load %arg1[%swap3A_30, %swap3A_31, %swap3A_32] : memref<3x16x1024xf32, #tpu.memory_space<vmem>>, vector<1x16x1024xf32>
    %swap3A_34 = vector.shape_cast %swap3A_33 : vector<1x16x1024xf32> to vector<16x1024xf32>
    %swap3A_35 = vector.shape_cast %scan3A_23#3 : vector<16x1024xf32> to vector<1x16x1024xf32>
    tpu.vector_store %arg1[%swap3A_30, %swap3A_31, %swap3A_32], %swap3A_35 {strides = array<i32>} : memref<3x16x1024xf32, #tpu.memory_space<vmem>>, vector<1x16x1024xf32>,
    %swap3A_36 = arith.constant 2 : index
    %swap3A_37 = arith.constant 0 : index
    %swap3A_38 = arith.constant 0 : index
    %swap3A_39 = vector.load %arg1[%swap3A_36, %swap3A_37, %swap3A_38] : memref<3x16x1024xf32, #tpu.memory_space<vmem>>, vector<1x16x1024xf32>
    %swap3A_40 = vector.shape_cast %swap3A_39 : vector<1x16x1024xf32> to vector<16x1024xf32>
    %swap3A_41 = vector.shape_cast %scan3A_23#4 : vector<16x1024xf32> to vector<1x16x1024xf32>
    tpu.vector_store %arg1[%swap3A_36, %swap3A_37, %swap3A_38], %swap3A_41 {strides = array<i32>} : memref<3x16x1024xf32, #tpu.memory_space<vmem>>, vector<1x16x1024xf32>,
    return
  }
}

module attributes {stable_mosaic.version = 14 : i64} {
  func.func @_ballq_body(%arg0: i32, %arg1: i32, %arg2: memref<1x3x4096xf32, #tpu.memory_space<vmem>>, %arg3: memref<1x128x3xf32, #tpu.memory_space<vmem>>, %arg4: memref<1x128x32xi32, #tpu.memory_space<vmem>>) attributes {dimension_semantics = [#tpu.dimension_semantics<arbitrary>, #tpu.dimension_semantics<arbitrary>], iteration_bounds = array<i64: 16, 8>, scalar_prefetch = 0 : i64, scratch_operands = 0 : i64, tpu.core_type = #tpu.core_type<tc>, window_params = [{transform_indices = @transform_0, window_bounds = array<i64: 1, 3, 4096>}, {transform_indices = @transform_1, window_bounds = array<i64: 1, 128, 3>}, {transform_indices = @transform_2, window_bounds = array<i64: 1, 128, 32>}]} {
    %get3A = arith.constant 0 : index
    %get3A_0 = arith.constant 0 : index
    %get3A_1 = arith.constant 0 : index
    %get3A_2 = vector.load %arg2[%get3A, %get3A_0, %get3A_1] : memref<1x3x4096xf32, #tpu.memory_space<vmem>>, vector<1x3x4096xf32>
    %get3A_3 = vector.shape_cast %get3A_2 : vector<1x3x4096xf32> to vector<3x4096xf32>
    %get3A_4 = arith.constant 0 : index
    %get3A_5 = arith.constant 0 : index
    %get3A_6 = arith.constant 0 : index
    %get3A_7 = vector.load %arg3[%get3A_4, %get3A_5, %get3A_6] : memref<1x128x3xf32, #tpu.memory_space<vmem>>, vector<1x128x3xf32>
    %get3A_8 = vector.shape_cast %get3A_7 : vector<1x128x3xf32> to vector<128x3xf32>
    %slice3A = vector.extract_strided_slice %get3A_8 {offsets = [0, 0], sizes = [128, 1], strides = [1, 1]} : vector<128x3xf32> to vector<128x1xf32>
    %slice3A_9 = vector.extract_strided_slice %get3A_8 {offsets = [0, 1], sizes = [128, 1], strides = [1, 1]} : vector<128x3xf32> to vector<128x1xf32>
    %slice3A_10 = vector.extract_strided_slice %get3A_8 {offsets = [0, 2], sizes = [128, 1], strides = [1, 1]} : vector<128x3xf32> to vector<128x1xf32>
    %dot_general3A = arith.constant dense<0.000000e+00> : vector<128x4096xf32>
    %dot_general3A_11 = tpu.matmul %get3A_8, %get3A_3, %dot_general3A {dimension_numbers = #tpu.dot_dimension_numbers<[1], [0], [0], [1], [0, 0, 1, 1], [], []>, transpose_lhs_hint = false} : vector<128x3xf32>, vector<3x4096xf32>, vector<128x4096xf32> -> vector<128x4096xf32>
    %mul3A = arith.mulf %slice3A, %slice3A : vector<128x1xf32>
    %mul3A_12 = arith.mulf %slice3A_9, %slice3A_9 : vector<128x1xf32>
    %add3A = arith.addf %mul3A, %mul3A_12 : vector<128x1xf32>
    %mul3A_13 = arith.mulf %slice3A_10, %slice3A_10 : vector<128x1xf32>
    %add3A_14 = arith.addf %add3A, %mul3A_13 : vector<128x1xf32>
    %mul3A_15 = arith.mulf %get3A_3, %get3A_3 : vector<3x4096xf32>
    %reduce_sum3A = arith.constant dense<0.000000e+00> : vector<4096xf32>
    %reduce_sum3A_16 = vector.multi_reduction <add>, %mul3A_15, %reduce_sum3A [0] : vector<3x4096xf32> to vector<4096xf32>
    %broadcast_in_dim3A = vector.shape_cast %reduce_sum3A_16 : vector<4096xf32> to vector<1x4096xf32>
    %mul3A_17 = arith.constant -2.000000e+00 : f32
    %mul3A_18 = vector.broadcast %mul3A_17 : f32 to vector<128x4096xf32>
    %mul3A_19 = arith.mulf %mul3A_18, %dot_general3A_11 : vector<128x4096xf32>
    %add3A_20 = vector.broadcast %add3A_14 : vector<128x1xf32> to vector<128x4096xf32>
    %add3A_21 = arith.addf %mul3A_19, %add3A_20 : vector<128x4096xf32>
    %add3A_22 = vector.broadcast %broadcast_in_dim3A : vector<1x4096xf32> to vector<128x4096xf32>
    %add3A_23 = arith.addf %add3A_21, %add3A_22 : vector<128x4096xf32>
    %iota3A = tpu.iota {dimensions = array<i32: 1>} : vector<128x4096xi32>
    %reduce_min3A = arith.constant dense<0x7F800000> : vector<128xf32>
    %reduce_min3A_24 = vector.multi_reduction <minimumf>, %add3A_23, %reduce_min3A [1] : vector<128x4096xf32> to vector<128xf32>
    %broadcast_in_dim3A_25 = vector.shape_cast %reduce_min3A_24 : vector<128xf32> to vector<128x1xf32>
    %eq3A = vector.broadcast %broadcast_in_dim3A_25 : vector<128x1xf32> to vector<128x4096xf32>
    %eq3A_26 = arith.cmpf oeq, %add3A_23, %eq3A : vector<128x4096xf32>
    %jit3A = arith.constant 4096 : i32
    %broadcast_in_dim3A_27 = vector.broadcast %jit3A : i32 to vector<128x4096xi32>
    %select_n3A = arith.select %eq3A_26, %iota3A, %broadcast_in_dim3A_27 : vector<128x4096xi1>, vector<128x4096xi32>
    %reduce_min3A_28 = arith.constant dense<2147483647> : vector<128xi32>
    %reduce_min3A_29 = vector.multi_reduction <minsi>, %select_n3A, %reduce_min3A_28 [1] : vector<128x4096xi32> to vector<128xi32>
    %broadcast_in_dim3A_30 = vector.shape_cast %reduce_min3A_29 : vector<128xi32> to vector<128x1xi32>
    %mul3A_31 = arith.constant 4096 : i32
    %mul3A_32 = arith.muli %arg0, %mul3A_31 : i32
    %add3A_33 = arith.constant 2.000000e-03 : f32
    %add3A_34 = vector.broadcast %add3A_33 : f32 to vector<128x4096xf32>
    %add3A_35 = arith.addf %add3A_23, %add3A_34 : vector<128x4096xf32>
    %mul3A_36 = arith.constant 1.000000e+07 : f32
    %mul3A_37 = vector.broadcast %mul3A_36 : f32 to vector<128x4096xf32>
    %mul3A_38 = arith.mulf %add3A_35, %mul3A_37 : vector<128x4096xf32>
    %convert_element_type3A = arith.fptosi %mul3A_38 : vector<128x4096xf32> to vector<128x4096xi32>
    %le3A = arith.constant 4.000000e-02 : f32
    %le3A_39 = vector.broadcast %le3A : f32 to vector<128x4096xf32>
    %le3A_40 = arith.cmpf ole, %add3A_23, %le3A_39 : vector<128x4096xf32>
    %shift_left3A = arith.constant 12 : i32
    %shift_left3A_41 = vector.broadcast %shift_left3A : i32 to vector<128x4096xi32>
    %shift_left3A_42 = arith.shli %convert_element_type3A, %shift_left3A_41 : vector<128x4096xi32>
    %add3A_43 = arith.addi %shift_left3A_42, %iota3A : vector<128x4096xi32>
    %jit3A_44 = arith.constant 2147483647 : i32
    %broadcast_in_dim3A_45 = vector.broadcast %jit3A_44 : i32 to vector<128x4096xi32>
    %select_n3A_46 = arith.select %le3A_40, %add3A_43, %broadcast_in_dim3A_45 : vector<128x4096xi1>, vector<128x4096xi32>
    %slice3A_47 = vector.extract_strided_slice %select_n3A_46 {offsets = [0, 0], sizes = [128, 2048], strides = [1, 1]} : vector<128x4096xi32> to vector<128x2048xi32>
    %slice3A_48 = vector.extract_strided_slice %select_n3A_46 {offsets = [0, 2048], sizes = [128, 2048], strides = [1, 1]} : vector<128x4096xi32> to vector<128x2048xi32>
    %min3A = arith.minsi %slice3A_47, %slice3A_48 : vector<128x2048xi32>
    %slice3A_49 = vector.extract_strided_slice %select_n3A_46 {offsets = [0, 0], sizes = [128, 2048], strides = [1, 1]} : vector<128x4096xi32> to vector<128x2048xi32>
    %slice3A_50 = vector.extract_strided_slice %select_n3A_46 {offsets = [0, 2048], sizes = [128, 2048], strides = [1, 1]} : vector<128x4096xi32> to vector<128x2048xi32>
    %max3A = arith.maxsi %slice3A_49, %slice3A_50 : vector<128x2048xi32>
    %reduce_min3A_51 = arith.constant dense<2147483647> : vector<128xi32>
    %reduce_min3A_52 = vector.multi_reduction <minsi>, %min3A, %reduce_min3A_51 [1] : vector<128x2048xi32> to vector<128xi32>
    %broadcast_in_dim3A_53 = vector.shape_cast %reduce_min3A_52 : vector<128xi32> to vector<128x1xi32>
    %and3A = arith.constant 4095 : i32
    %and3A_54 = vector.broadcast %and3A : i32 to vector<128x1xi32>
    %and3A_55 = arith.andi %broadcast_in_dim3A_53, %and3A_54 : vector<128x1xi32>
    %lt3A = arith.constant 2147483647 : i32
    %lt3A_56 = vector.broadcast %lt3A : i32 to vector<128x1xi32>
    %lt3A_57 = arith.cmpi slt, %broadcast_in_dim3A_53, %lt3A_56 : vector<128x1xi32>
    %select_n3A_58 = arith.select %lt3A_57, %and3A_55, %broadcast_in_dim3A_30 : vector<128x1xi1>, vector<128x1xi32>
    %add3A_59 = vector.broadcast %mul3A_32 : i32 to vector<128x1xi32>
    %add3A_60 = arith.addi %select_n3A_58, %add3A_59 : vector<128x1xi32>
    %swap3A = arith.constant 0 : index
    %swap3A_61 = arith.constant 0 : index
    %swap3A_62 = arith.constant 0 : index
    %swap3A_63 = vector.load %arg4[%swap3A, %swap3A_61, %swap3A_62] : memref<1x128x32xi32, #tpu.memory_space<vmem>>, vector<1x128x1xi32>
    %swap3A_64 = vector.shape_cast %swap3A_63 : vector<1x128x1xi32> to vector<128x1xi32>
    %swap3A_65 = vector.shape_cast %add3A_60 : vector<128x1xi32> to vector<1x128x1xi32>
    tpu.vector_store %arg4[%swap3A, %swap3A_61, %swap3A_62], %swap3A_65 {strides = array<i32>} : memref<1x128x32xi32, #tpu.memory_space<vmem>>, vector<1x128x1xi32>,
    %eq3A_66 = vector.broadcast %broadcast_in_dim3A_53 : vector<128x1xi32> to vector<128x2048xi32>
    %eq3A_67 = arith.cmpi eq, %min3A, %eq3A_66 : vector<128x2048xi32>
    %select_n3A_68 = arith.select %eq3A_67, %max3A, %min3A : vector<128x2048xi1>, vector<128x2048xi32>
    %jit3A_69 = arith.constant 2147483647 : i32
    %broadcast_in_dim3A_70 = vector.broadcast %jit3A_69 : i32 to vector<128x2048xi32>
    %select_n3A_71 = arith.select %eq3A_67, %broadcast_in_dim3A_70, %max3A : vector<128x2048xi1>, vector<128x2048xi32>
    %reduce_min3A_72 = arith.constant dense<2147483647> : vector<128xi32>
    %reduce_min3A_73 = vector.multi_reduction <minsi>, %select_n3A_68, %reduce_min3A_72 [1] : vector<128x2048xi32> to vector<128xi32>
    %broadcast_in_dim3A_74 = vector.shape_cast %reduce_min3A_73 : vector<128xi32> to vector<128x1xi32>
    %and3A_75 = arith.constant 4095 : i32
    %and3A_76 = vector.broadcast %and3A_75 : i32 to vector<128x1xi32>
    %and3A_77 = arith.andi %broadcast_in_dim3A_74, %and3A_76 : vector<128x1xi32>
    %lt3A_78 = arith.constant 2147483647 : i32
    %lt3A_79 = vector.broadcast %lt3A_78 : i32 to vector<128x1xi32>
    %lt3A_80 = arith.cmpi slt, %broadcast_in_dim3A_74, %lt3A_79 : vector<128x1xi32>
    %select_n3A_81 = arith.select %lt3A_80, %and3A_77, %broadcast_in_dim3A_30 : vector<128x1xi1>, vector<128x1xi32>
    %add3A_82 = vector.broadcast %mul3A_32 : i32 to vector<128x1xi32>
    %add3A_83 = arith.addi %select_n3A_81, %add3A_82 : vector<128x1xi32>
    %swap3A_84 = arith.constant 0 : index
    %swap3A_85 = arith.constant 0 : index
    %swap3A_86 = arith.constant 1 : index
    %swap3A_87 = vector.load %arg4[%swap3A_84, %swap3A_85, %swap3A_86] : memref<1x128x32xi32, #tpu.memory_space<vmem>>, vector<1x128x1xi32>
    %swap3A_88 = vector.shape_cast %swap3A_87 : vector<1x128x1xi32> to vector<128x1xi32>
    %swap3A_89 = vector.shape_cast %add3A_83 : vector<128x1xi32> to vector<1x128x1xi32>
    tpu.vector_store %arg4[%swap3A_84, %swap3A_85, %swap3A_86], %swap3A_89 {strides = array<i32>} : memref<1x128x32xi32, #tpu.memory_space<vmem>>, vector<1x128x1xi32>,
    %eq3A_90 = vector.broadcast %broadcast_in_dim3A_74 : vector<128x1xi32> to vector<128x2048xi32>
    %eq3A_91 = arith.cmpi eq, %select_n3A_68, %eq3A_90 : vector<128x2048xi32>
    %select_n3A_92 = arith.select %eq3A_91, %select_n3A_71, %select_n3A_68 : vector<128x2048xi1>, vector<128x2048xi32>
    %jit3A_93 = arith.constant 2147483647 : i32
    %broadcast_in_dim3A_94 = vector.broadcast %jit3A_93 : i32 to vector<128x2048xi32>
    %select_n3A_95 = arith.select %eq3A_91, %broadcast_in_dim3A_94, %select_n3A_71 : vector<128x2048xi1>, vector<128x2048xi32>
    %reduce_min3A_96 = arith.constant dense<2147483647> : vector<128xi32>
    %reduce_min3A_97 = vector.multi_reduction <minsi>, %select_n3A_92, %reduce_min3A_96 [1] : vector<128x2048xi32> to vector<128xi32>
    %broadcast_in_dim3A_98 = vector.shape_cast %reduce_min3A_97 : vector<128xi32> to vector<128x1xi32>
    %and3A_99 = arith.constant 4095 : i32
    %and3A_100 = vector.broadcast %and3A_99 : i32 to vector<128x1xi32>
    %and3A_101 = arith.andi %broadcast_in_dim3A_98, %and3A_100 : vector<128x1xi32>
    %lt3A_102 = arith.constant 2147483647 : i32
    %lt3A_103 = vector.broadcast %lt3A_102 : i32 to vector<128x1xi32>
    %lt3A_104 = arith.cmpi slt, %broadcast_in_dim3A_98, %lt3A_103 : vector<128x1xi32>
    %select_n3A_105 = arith.select %lt3A_104, %and3A_101, %broadcast_in_dim3A_30 : vector<128x1xi1>, vector<128x1xi32>
    %add3A_106 = vector.broadcast %mul3A_32 : i32 to vector<128x1xi32>
    %add3A_107 = arith.addi %select_n3A_105, %add3A_106 : vector<128x1xi32>
    %swap3A_108 = arith.constant 0 : index
    %swap3A_109 = arith.constant 0 : index
    %swap3A_110 = arith.constant 2 : index
    %swap3A_111 = vector.load %arg4[%swap3A_108, %swap3A_109, %swap3A_110] : memref<1x128x32xi32, #tpu.memory_space<vmem>>, vector<1x128x1xi32>
    %swap3A_112 = vector.shape_cast %swap3A_111 : vector<1x128x1xi32> to vector<128x1xi32>
    %swap3A_113 = vector.shape_cast %add3A_107 : vector<128x1xi32> to vector<1x128x1xi32>
    tpu.vector_store %arg4[%swap3A_108, %swap3A_109, %swap3A_110], %swap3A_113 {strides = array<i32>} : memref<1x128x32xi32, #tpu.memory_space<vmem>>, vector<1x128x1xi32>,
    %eq3A_114 = vector.broadcast %broadcast_in_dim3A_98 : vector<128x1xi32> to vector<128x2048xi32>
    %eq3A_115 = arith.cmpi eq, %select_n3A_92, %eq3A_114 : vector<128x2048xi32>
    %select_n3A_116 = arith.select %eq3A_115, %select_n3A_95, %select_n3A_92 : vector<128x2048xi1>, vector<128x2048xi32>
    %jit3A_117 = arith.constant 2147483647 : i32
    %broadcast_in_dim3A_118 = vector.broadcast %jit3A_117 : i32 to vector<128x2048xi32>
    %select_n3A_119 = arith.select %eq3A_115, %broadcast_in_dim3A_118, %select_n3A_95 : vector<128x2048xi1>, vector<128x2048xi32>
    %reduce_min3A_120 = arith.constant dense<2147483647> : vector<128xi32>
    %reduce_min3A_121 = vector.multi_reduction <minsi>, %select_n3A_116, %reduce_min3A_120 [1] : vector<128x2048xi32> to vector<128xi32>
    %broadcast_in_dim3A_122 = vector.shape_cast %reduce_min3A_121 : vector<128xi32> to vector<128x1xi32>
    %and3A_123 = arith.constant 4095 : i32
    %and3A_124 = vector.broadcast %and3A_123 : i32 to vector<128x1xi32>
    %and3A_125 = arith.andi %broadcast_in_dim3A_122, %and3A_124 : vector<128x1xi32>
    %lt3A_126 = arith.constant 2147483647 : i32
    %lt3A_127 = vector.broadcast %lt3A_126 : i32 to vector<128x1xi32>
    %lt3A_128 = arith.cmpi slt, %broadcast_in_dim3A_122, %lt3A_127 : vector<128x1xi32>
    %select_n3A_129 = arith.select %lt3A_128, %and3A_125, %broadcast_in_dim3A_30 : vector<128x1xi1>, vector<128x1xi32>
    %add3A_130 = vector.broadcast %mul3A_32 : i32 to vector<128x1xi32>
    %add3A_131 = arith.addi %select_n3A_129, %add3A_130 : vector<128x1xi32>
    %swap3A_132 = arith.constant 0 : index
    %swap3A_133 = arith.constant 0 : index
    %swap3A_134 = arith.constant 3 : index
    %swap3A_135 = vector.load %arg4[%swap3A_132, %swap3A_133, %swap3A_134] : memref<1x128x32xi32, #tpu.memory_space<vmem>>, vector<1x128x1xi32>
    %swap3A_136 = vector.shape_cast %swap3A_135 : vector<1x128x1xi32> to vector<128x1xi32>
    %swap3A_137 = vector.shape_cast %add3A_131 : vector<128x1xi32> to vector<1x128x1xi32>
    tpu.vector_store %arg4[%swap3A_132, %swap3A_133, %swap3A_134], %swap3A_137 {strides = array<i32>} : memref<1x128x32xi32, #tpu.memory_space<vmem>>, vector<1x128x1xi32>,
    %eq3A_138 = vector.broadcast %broadcast_in_dim3A_122 : vector<128x1xi32> to vector<128x2048xi32>
    %eq3A_139 = arith.cmpi eq, %select_n3A_116, %eq3A_138 : vector<128x2048xi32>
    %select_n3A_140 = arith.select %eq3A_139, %select_n3A_119, %select_n3A_116 : vector<128x2048xi1>, vector<128x2048xi32>
    %jit3A_141 = arith.constant 2147483647 : i32
    %broadcast_in_dim3A_142 = vector.broadcast %jit3A_141 : i32 to vector<128x2048xi32>
    %select_n3A_143 = arith.select %eq3A_139, %broadcast_in_dim3A_142, %select_n3A_119 : vector<128x2048xi1>, vector<128x2048xi32>
    %reduce_min3A_144 = arith.constant dense<2147483647> : vector<128xi32>
    %reduce_min3A_145 = vector.multi_reduction <minsi>, %select_n3A_140, %reduce_min3A_144 [1] : vector<128x2048xi32> to vector<128xi32>
    %broadcast_in_dim3A_146 = vector.shape_cast %reduce_min3A_145 : vector<128xi32> to vector<128x1xi32>
    %and3A_147 = arith.constant 4095 : i32
    %and3A_148 = vector.broadcast %and3A_147 : i32 to vector<128x1xi32>
    %and3A_149 = arith.andi %broadcast_in_dim3A_146, %and3A_148 : vector<128x1xi32>
    %lt3A_150 = arith.constant 2147483647 : i32
    %lt3A_151 = vector.broadcast %lt3A_150 : i32 to vector<128x1xi32>
    %lt3A_152 = arith.cmpi slt, %broadcast_in_dim3A_146, %lt3A_151 : vector<128x1xi32>
    %select_n3A_153 = arith.select %lt3A_152, %and3A_149, %broadcast_in_dim3A_30 : vector<128x1xi1>, vector<128x1xi32>
    %add3A_154 = vector.broadcast %mul3A_32 : i32 to vector<128x1xi32>
    %add3A_155 = arith.addi %select_n3A_153, %add3A_154 : vector<128x1xi32>
    %swap3A_156 = arith.constant 0 : index
    %swap3A_157 = arith.constant 0 : index
    %swap3A_158 = arith.constant 4 : index
    %swap3A_159 = vector.load %arg4[%swap3A_156, %swap3A_157, %swap3A_158] : memref<1x128x32xi32, #tpu.memory_space<vmem>>, vector<1x128x1xi32>
    %swap3A_160 = vector.shape_cast %swap3A_159 : vector<1x128x1xi32> to vector<128x1xi32>
    %swap3A_161 = vector.shape_cast %add3A_155 : vector<128x1xi32> to vector<1x128x1xi32>
    tpu.vector_store %arg4[%swap3A_156, %swap3A_157, %swap3A_158], %swap3A_161 {strides = array<i32>} : memref<1x128x32xi32, #tpu.memory_space<vmem>>, vector<1x128x1xi32>,
    %eq3A_162 = vector.broadcast %broadcast_in_dim3A_146 : vector<128x1xi32> to vector<128x2048xi32>
    %eq3A_163 = arith.cmpi eq, %select_n3A_140, %eq3A_162 : vector<128x2048xi32>
    %select_n3A_164 = arith.select %eq3A_163, %select_n3A_143, %select_n3A_140 : vector<128x2048xi1>, vector<128x2048xi32>
    %jit3A_165 = arith.constant 2147483647 : i32
    %broadcast_in_dim3A_166 = vector.broadcast %jit3A_165 : i32 to vector<128x2048xi32>
    %select_n3A_167 = arith.select %eq3A_163, %broadcast_in_dim3A_166, %select_n3A_143 : vector<128x2048xi1>, vector<128x2048xi32>
    %reduce_min3A_168 = arith.constant dense<2147483647> : vector<128xi32>
    %reduce_min3A_169 = vector.multi_reduction <minsi>, %select_n3A_164, %reduce_min3A_168 [1] : vector<128x2048xi32> to vector<128xi32>
    %broadcast_in_dim3A_170 = vector.shape_cast %reduce_min3A_169 : vector<128xi32> to vector<128x1xi32>
    %and3A_171 = arith.constant 4095 : i32
    %and3A_172 = vector.broadcast %and3A_171 : i32 to vector<128x1xi32>
    %and3A_173 = arith.andi %broadcast_in_dim3A_170, %and3A_172 : vector<128x1xi32>
    %lt3A_174 = arith.constant 2147483647 : i32
    %lt3A_175 = vector.broadcast %lt3A_174 : i32 to vector<128x1xi32>
    %lt3A_176 = arith.cmpi slt, %broadcast_in_dim3A_170, %lt3A_175 : vector<128x1xi32>
    %select_n3A_177 = arith.select %lt3A_176, %and3A_173, %broadcast_in_dim3A_30 : vector<128x1xi1>, vector<128x1xi32>
    %add3A_178 = vector.broadcast %mul3A_32 : i32 to vector<128x1xi32>
    %add3A_179 = arith.addi %select_n3A_177, %add3A_178 : vector<128x1xi32>
    %swap3A_180 = arith.constant 0 : index
    %swap3A_181 = arith.constant 0 : index
    %swap3A_182 = arith.constant 5 : index
    %swap3A_183 = vector.load %arg4[%swap3A_180, %swap3A_181, %swap3A_182] : memref<1x128x32xi32, #tpu.memory_space<vmem>>, vector<1x128x1xi32>
    %swap3A_184 = vector.shape_cast %swap3A_183 : vector<1x128x1xi32> to vector<128x1xi32>
    %swap3A_185 = vector.shape_cast %add3A_179 : vector<128x1xi32> to vector<1x128x1xi32>
    tpu.vector_store %arg4[%swap3A_180, %swap3A_181, %swap3A_182], %swap3A_185 {strides = array<i32>} : memref<1x128x32xi32, #tpu.memory_space<vmem>>, vector<1x128x1xi32>,
    %eq3A_186 = vector.broadcast %broadcast_in_dim3A_170 : vector<128x1xi32> to vector<128x2048xi32>
    %eq3A_187 = arith.cmpi eq, %select_n3A_164, %eq3A_186 : vector<128x2048xi32>
    %select_n3A_188 = arith.select %eq3A_187, %select_n3A_167, %select_n3A_164 : vector<128x2048xi1>, vector<128x2048xi32>
    %jit3A_189 = arith.constant 2147483647 : i32
    %broadcast_in_dim3A_190 = vector.broadcast %jit3A_189 : i32 to vector<128x2048xi32>
    %select_n3A_191 = arith.select %eq3A_187, %broadcast_in_dim3A_190, %select_n3A_167 : vector<128x2048xi1>, vector<128x2048xi32>
    %reduce_min3A_192 = arith.constant dense<2147483647> : vector<128xi32>
    %reduce_min3A_193 = vector.multi_reduction <minsi>, %select_n3A_188, %reduce_min3A_192 [1] : vector<128x2048xi32> to vector<128xi32>
    %broadcast_in_dim3A_194 = vector.shape_cast %reduce_min3A_193 : vector<128xi32> to vector<128x1xi32>
    %and3A_195 = arith.constant 4095 : i32
    %and3A_196 = vector.broadcast %and3A_195 : i32 to vector<128x1xi32>
    %and3A_197 = arith.andi %broadcast_in_dim3A_194, %and3A_196 : vector<128x1xi32>
    %lt3A_198 = arith.constant 2147483647 : i32
    %lt3A_199 = vector.broadcast %lt3A_198 : i32 to vector<128x1xi32>
    %lt3A_200 = arith.cmpi slt, %broadcast_in_dim3A_194, %lt3A_199 : vector<128x1xi32>
    %select_n3A_201 = arith.select %lt3A_200, %and3A_197, %broadcast_in_dim3A_30 : vector<128x1xi1>, vector<128x1xi32>
    %add3A_202 = vector.broadcast %mul3A_32 : i32 to vector<128x1xi32>
    %add3A_203 = arith.addi %select_n3A_201, %add3A_202 : vector<128x1xi32>
    %swap3A_204 = arith.constant 0 : index
    %swap3A_205 = arith.constant 0 : index
    %swap3A_206 = arith.constant 6 : index
    %swap3A_207 = vector.load %arg4[%swap3A_204, %swap3A_205, %swap3A_206] : memref<1x128x32xi32, #tpu.memory_space<vmem>>, vector<1x128x1xi32>
    %swap3A_208 = vector.shape_cast %swap3A_207 : vector<1x128x1xi32> to vector<128x1xi32>
    %swap3A_209 = vector.shape_cast %add3A_203 : vector<128x1xi32> to vector<1x128x1xi32>
    tpu.vector_store %arg4[%swap3A_204, %swap3A_205, %swap3A_206], %swap3A_209 {strides = array<i32>} : memref<1x128x32xi32, #tpu.memory_space<vmem>>, vector<1x128x1xi32>,
    %eq3A_210 = vector.broadcast %broadcast_in_dim3A_194 : vector<128x1xi32> to vector<128x2048xi32>
    %eq3A_211 = arith.cmpi eq, %select_n3A_188, %eq3A_210 : vector<128x2048xi32>
    %select_n3A_212 = arith.select %eq3A_211, %select_n3A_191, %select_n3A_188 : vector<128x2048xi1>, vector<128x2048xi32>
    %jit3A_213 = arith.constant 2147483647 : i32
    %broadcast_in_dim3A_214 = vector.broadcast %jit3A_213 : i32 to vector<128x2048xi32>
    %select_n3A_215 = arith.select %eq3A_211, %broadcast_in_dim3A_214, %select_n3A_191 : vector<128x2048xi1>, vector<128x2048xi32>
    %reduce_min3A_216 = arith.constant dense<2147483647> : vector<128xi32>
    %reduce_min3A_217 = vector.multi_reduction <minsi>, %select_n3A_212, %reduce_min3A_216 [1] : vector<128x2048xi32> to vector<128xi32>
    %broadcast_in_dim3A_218 = vector.shape_cast %reduce_min3A_217 : vector<128xi32> to vector<128x1xi32>
    %and3A_219 = arith.constant 4095 : i32
    %and3A_220 = vector.broadcast %and3A_219 : i32 to vector<128x1xi32>
    %and3A_221 = arith.andi %broadcast_in_dim3A_218, %and3A_220 : vector<128x1xi32>
    %lt3A_222 = arith.constant 2147483647 : i32
    %lt3A_223 = vector.broadcast %lt3A_222 : i32 to vector<128x1xi32>
    %lt3A_224 = arith.cmpi slt, %broadcast_in_dim3A_218, %lt3A_223 : vector<128x1xi32>
    %select_n3A_225 = arith.select %lt3A_224, %and3A_221, %broadcast_in_dim3A_30 : vector<128x1xi1>, vector<128x1xi32>
    %add3A_226 = vector.broadcast %mul3A_32 : i32 to vector<128x1xi32>
    %add3A_227 = arith.addi %select_n3A_225, %add3A_226 : vector<128x1xi32>
    %swap3A_228 = arith.constant 0 : index
    %swap3A_229 = arith.constant 0 : index
    %swap3A_230 = arith.constant 7 : index
    %swap3A_231 = vector.load %arg4[%swap3A_228, %swap3A_229, %swap3A_230] : memref<1x128x32xi32, #tpu.memory_space<vmem>>, vector<1x128x1xi32>
    %swap3A_232 = vector.shape_cast %swap3A_231 : vector<1x128x1xi32> to vector<128x1xi32>
    %swap3A_233 = vector.shape_cast %add3A_227 : vector<128x1xi32> to vector<1x128x1xi32>
    tpu.vector_store %arg4[%swap3A_228, %swap3A_229, %swap3A_230], %swap3A_233 {strides = array<i32>} : memref<1x128x32xi32, #tpu.memory_space<vmem>>, vector<1x128x1xi32>,
    %eq3A_234 = vector.broadcast %broadcast_in_dim3A_218 : vector<128x1xi32> to vector<128x2048xi32>
    %eq3A_235 = arith.cmpi eq, %select_n3A_212, %eq3A_234 : vector<128x2048xi32>
    %select_n3A_236 = arith.select %eq3A_235, %select_n3A_215, %select_n3A_212 : vector<128x2048xi1>, vector<128x2048xi32>
    %jit3A_237 = arith.constant 2147483647 : i32
    %broadcast_in_dim3A_238 = vector.broadcast %jit3A_237 : i32 to vector<128x2048xi32>
    %select_n3A_239 = arith.select %eq3A_235, %broadcast_in_dim3A_238, %select_n3A_215 : vector<128x2048xi1>, vector<128x2048xi32>
    %reduce_min3A_240 = arith.constant dense<2147483647> : vector<128xi32>
    %reduce_min3A_241 = vector.multi_reduction <minsi>, %select_n3A_236, %reduce_min3A_240 [1] : vector<128x2048xi32> to vector<128xi32>
    %broadcast_in_dim3A_242 = vector.shape_cast %reduce_min3A_241 : vector<128xi32> to vector<128x1xi32>
    %and3A_243 = arith.constant 4095 : i32
    %and3A_244 = vector.broadcast %and3A_243 : i32 to vector<128x1xi32>
    %and3A_245 = arith.andi %broadcast_in_dim3A_242, %and3A_244 : vector<128x1xi32>
    %lt3A_246 = arith.constant 2147483647 : i32
    %lt3A_247 = vector.broadcast %lt3A_246 : i32 to vector<128x1xi32>
    %lt3A_248 = arith.cmpi slt, %broadcast_in_dim3A_242, %lt3A_247 : vector<128x1xi32>
    %select_n3A_249 = arith.select %lt3A_248, %and3A_245, %broadcast_in_dim3A_30 : vector<128x1xi1>, vector<128x1xi32>
    %add3A_250 = vector.broadcast %mul3A_32 : i32 to vector<128x1xi32>
    %add3A_251 = arith.addi %select_n3A_249, %add3A_250 : vector<128x1xi32>
    %swap3A_252 = arith.constant 0 : index
    %swap3A_253 = arith.constant 0 : index
    %swap3A_254 = arith.constant 8 : index
    %swap3A_255 = vector.load %arg4[%swap3A_252, %swap3A_253, %swap3A_254] : memref<1x128x32xi32, #tpu.memory_space<vmem>>, vector<1x128x1xi32>
    %swap3A_256 = vector.shape_cast %swap3A_255 : vector<1x128x1xi32> to vector<128x1xi32>
    %swap3A_257 = vector.shape_cast %add3A_251 : vector<128x1xi32> to vector<1x128x1xi32>
    tpu.vector_store %arg4[%swap3A_252, %swap3A_253, %swap3A_254], %swap3A_257 {strides = array<i32>} : memref<1x128x32xi32, #tpu.memory_space<vmem>>, vector<1x128x1xi32>,
    %eq3A_258 = vector.broadcast %broadcast_in_dim3A_242 : vector<128x1xi32> to vector<128x2048xi32>
    %eq3A_259 = arith.cmpi eq, %select_n3A_236, %eq3A_258 : vector<128x2048xi32>
    %select_n3A_260 = arith.select %eq3A_259, %select_n3A_239, %select_n3A_236 : vector<128x2048xi1>, vector<128x2048xi32>
    %jit3A_261 = arith.constant 2147483647 : i32
    %broadcast_in_dim3A_262 = vector.broadcast %jit3A_261 : i32 to vector<128x2048xi32>
    %select_n3A_263 = arith.select %eq3A_259, %broadcast_in_dim3A_262, %select_n3A_239 : vector<128x2048xi1>, vector<128x2048xi32>
    %reduce_min3A_264 = arith.constant dense<2147483647> : vector<128xi32>
    %reduce_min3A_265 = vector.multi_reduction <minsi>, %select_n3A_260, %reduce_min3A_264 [1] : vector<128x2048xi32> to vector<128xi32>
    %broadcast_in_dim3A_266 = vector.shape_cast %reduce_min3A_265 : vector<128xi32> to vector<128x1xi32>
    %and3A_267 = arith.constant 4095 : i32
    %and3A_268 = vector.broadcast %and3A_267 : i32 to vector<128x1xi32>
    %and3A_269 = arith.andi %broadcast_in_dim3A_266, %and3A_268 : vector<128x1xi32>
    %lt3A_270 = arith.constant 2147483647 : i32
    %lt3A_271 = vector.broadcast %lt3A_270 : i32 to vector<128x1xi32>
    %lt3A_272 = arith.cmpi slt, %broadcast_in_dim3A_266, %lt3A_271 : vector<128x1xi32>
    %select_n3A_273 = arith.select %lt3A_272, %and3A_269, %broadcast_in_dim3A_30 : vector<128x1xi1>, vector<128x1xi32>
    %add3A_274 = vector.broadcast %mul3A_32 : i32 to vector<128x1xi32>
    %add3A_275 = arith.addi %select_n3A_273, %add3A_274 : vector<128x1xi32>
    %swap3A_276 = arith.constant 0 : index
    %swap3A_277 = arith.constant 0 : index
    %swap3A_278 = arith.constant 9 : index
    %swap3A_279 = vector.load %arg4[%swap3A_276, %swap3A_277, %swap3A_278] : memref<1x128x32xi32, #tpu.memory_space<vmem>>, vector<1x128x1xi32>
    %swap3A_280 = vector.shape_cast %swap3A_279 : vector<1x128x1xi32> to vector<128x1xi32>
    %swap3A_281 = vector.shape_cast %add3A_275 : vector<128x1xi32> to vector<1x128x1xi32>
    tpu.vector_store %arg4[%swap3A_276, %swap3A_277, %swap3A_278], %swap3A_281 {strides = array<i32>} : memref<1x128x32xi32, #tpu.memory_space<vmem>>, vector<1x128x1xi32>,
    %eq3A_282 = vector.broadcast %broadcast_in_dim3A_266 : vector<128x1xi32> to vector<128x2048xi32>
    %eq3A_283 = arith.cmpi eq, %select_n3A_260, %eq3A_282 : vector<128x2048xi32>
    %select_n3A_284 = arith.select %eq3A_283, %select_n3A_263, %select_n3A_260 : vector<128x2048xi1>, vector<128x2048xi32>
    %jit3A_285 = arith.constant 2147483647 : i32
    %broadcast_in_dim3A_286 = vector.broadcast %jit3A_285 : i32 to vector<128x2048xi32>
    %select_n3A_287 = arith.select %eq3A_283, %broadcast_in_dim3A_286, %select_n3A_263 : vector<128x2048xi1>, vector<128x2048xi32>
    %reduce_min3A_288 = arith.constant dense<2147483647> : vector<128xi32>
    %reduce_min3A_289 = vector.multi_reduction <minsi>, %select_n3A_284, %reduce_min3A_288 [1] : vector<128x2048xi32> to vector<128xi32>
    %broadcast_in_dim3A_290 = vector.shape_cast %reduce_min3A_289 : vector<128xi32> to vector<128x1xi32>
    %and3A_291 = arith.constant 4095 : i32
    %and3A_292 = vector.broadcast %and3A_291 : i32 to vector<128x1xi32>
    %and3A_293 = arith.andi %broadcast_in_dim3A_290, %and3A_292 : vector<128x1xi32>
    %lt3A_294 = arith.constant 2147483647 : i32
    %lt3A_295 = vector.broadcast %lt3A_294 : i32 to vector<128x1xi32>
    %lt3A_296 = arith.cmpi slt, %broadcast_in_dim3A_290, %lt3A_295 : vector<128x1xi32>
    %select_n3A_297 = arith.select %lt3A_296, %and3A_293, %broadcast_in_dim3A_30 : vector<128x1xi1>, vector<128x1xi32>
    %add3A_298 = vector.broadcast %mul3A_32 : i32 to vector<128x1xi32>
    %add3A_299 = arith.addi %select_n3A_297, %add3A_298 : vector<128x1xi32>
    %swap3A_300 = arith.constant 0 : index
    %swap3A_301 = arith.constant 0 : index
    %swap3A_302 = arith.constant 10 : index
    %swap3A_303 = vector.load %arg4[%swap3A_300, %swap3A_301, %swap3A_302] : memref<1x128x32xi32, #tpu.memory_space<vmem>>, vector<1x128x1xi32>
    %swap3A_304 = vector.shape_cast %swap3A_303 : vector<1x128x1xi32> to vector<128x1xi32>
    %swap3A_305 = vector.shape_cast %add3A_299 : vector<128x1xi32> to vector<1x128x1xi32>
    tpu.vector_store %arg4[%swap3A_300, %swap3A_301, %swap3A_302], %swap3A_305 {strides = array<i32>} : memref<1x128x32xi32, #tpu.memory_space<vmem>>, vector<1x128x1xi32>,
    %eq3A_306 = vector.broadcast %broadcast_in_dim3A_290 : vector<128x1xi32> to vector<128x2048xi32>
    %eq3A_307 = arith.cmpi eq, %select_n3A_284, %eq3A_306 : vector<128x2048xi32>
    %select_n3A_308 = arith.select %eq3A_307, %select_n3A_287, %select_n3A_284 : vector<128x2048xi1>, vector<128x2048xi32>
    %jit3A_309 = arith.constant 2147483647 : i32
    %broadcast_in_dim3A_310 = vector.broadcast %jit3A_309 : i32 to vector<128x2048xi32>
    %select_n3A_311 = arith.select %eq3A_307, %broadcast_in_dim3A_310, %select_n3A_287 : vector<128x2048xi1>, vector<128x2048xi32>
    %reduce_min3A_312 = arith.constant dense<2147483647> : vector<128xi32>
    %reduce_min3A_313 = vector.multi_reduction <minsi>, %select_n3A_308, %reduce_min3A_312 [1] : vector<128x2048xi32> to vector<128xi32>
    %broadcast_in_dim3A_314 = vector.shape_cast %reduce_min3A_313 : vector<128xi32> to vector<128x1xi32>
    %and3A_315 = arith.constant 4095 : i32
    %and3A_316 = vector.broadcast %and3A_315 : i32 to vector<128x1xi32>
    %and3A_317 = arith.andi %broadcast_in_dim3A_314, %and3A_316 : vector<128x1xi32>
    %lt3A_318 = arith.constant 2147483647 : i32
    %lt3A_319 = vector.broadcast %lt3A_318 : i32 to vector<128x1xi32>
    %lt3A_320 = arith.cmpi slt, %broadcast_in_dim3A_314, %lt3A_319 : vector<128x1xi32>
    %select_n3A_321 = arith.select %lt3A_320, %and3A_317, %broadcast_in_dim3A_30 : vector<128x1xi1>, vector<128x1xi32>
    %add3A_322 = vector.broadcast %mul3A_32 : i32 to vector<128x1xi32>
    %add3A_323 = arith.addi %select_n3A_321, %add3A_322 : vector<128x1xi32>
    %swap3A_324 = arith.constant 0 : index
    %swap3A_325 = arith.constant 0 : index
    %swap3A_326 = arith.constant 11 : index
    %swap3A_327 = vector.load %arg4[%swap3A_324, %swap3A_325, %swap3A_326] : memref<1x128x32xi32, #tpu.memory_space<vmem>>, vector<1x128x1xi32>
    %swap3A_328 = vector.shape_cast %swap3A_327 : vector<1x128x1xi32> to vector<128x1xi32>
    %swap3A_329 = vector.shape_cast %add3A_323 : vector<128x1xi32> to vector<1x128x1xi32>
    tpu.vector_store %arg4[%swap3A_324, %swap3A_325, %swap3A_326], %swap3A_329 {strides = array<i32>} : memref<1x128x32xi32, #tpu.memory_space<vmem>>, vector<1x128x1xi32>,
    %eq3A_330 = vector.broadcast %broadcast_in_dim3A_314 : vector<128x1xi32> to vector<128x2048xi32>
    %eq3A_331 = arith.cmpi eq, %select_n3A_308, %eq3A_330 : vector<128x2048xi32>
    %select_n3A_332 = arith.select %eq3A_331, %select_n3A_311, %select_n3A_308 : vector<128x2048xi1>, vector<128x2048xi32>
    %jit3A_333 = arith.constant 2147483647 : i32
    %broadcast_in_dim3A_334 = vector.broadcast %jit3A_333 : i32 to vector<128x2048xi32>
    %select_n3A_335 = arith.select %eq3A_331, %broadcast_in_dim3A_334, %select_n3A_311 : vector<128x2048xi1>, vector<128x2048xi32>
    %reduce_min3A_336 = arith.constant dense<2147483647> : vector<128xi32>
    %reduce_min3A_337 = vector.multi_reduction <minsi>, %select_n3A_332, %reduce_min3A_336 [1] : vector<128x2048xi32> to vector<128xi32>
    %broadcast_in_dim3A_338 = vector.shape_cast %reduce_min3A_337 : vector<128xi32> to vector<128x1xi32>
    %and3A_339 = arith.constant 4095 : i32
    %and3A_340 = vector.broadcast %and3A_339 : i32 to vector<128x1xi32>
    %and3A_341 = arith.andi %broadcast_in_dim3A_338, %and3A_340 : vector<128x1xi32>
    %lt3A_342 = arith.constant 2147483647 : i32
    %lt3A_343 = vector.broadcast %lt3A_342 : i32 to vector<128x1xi32>
    %lt3A_344 = arith.cmpi slt, %broadcast_in_dim3A_338, %lt3A_343 : vector<128x1xi32>
    %select_n3A_345 = arith.select %lt3A_344, %and3A_341, %broadcast_in_dim3A_30 : vector<128x1xi1>, vector<128x1xi32>
    %add3A_346 = vector.broadcast %mul3A_32 : i32 to vector<128x1xi32>
    %add3A_347 = arith.addi %select_n3A_345, %add3A_346 : vector<128x1xi32>
    %swap3A_348 = arith.constant 0 : index
    %swap3A_349 = arith.constant 0 : index
    %swap3A_350 = arith.constant 12 : index
    %swap3A_351 = vector.load %arg4[%swap3A_348, %swap3A_349, %swap3A_350] : memref<1x128x32xi32, #tpu.memory_space<vmem>>, vector<1x128x1xi32>
    %swap3A_352 = vector.shape_cast %swap3A_351 : vector<1x128x1xi32> to vector<128x1xi32>
    %swap3A_353 = vector.shape_cast %add3A_347 : vector<128x1xi32> to vector<1x128x1xi32>
    tpu.vector_store %arg4[%swap3A_348, %swap3A_349, %swap3A_350], %swap3A_353 {strides = array<i32>} : memref<1x128x32xi32, #tpu.memory_space<vmem>>, vector<1x128x1xi32>,
    %eq3A_354 = vector.broadcast %broadcast_in_dim3A_338 : vector<128x1xi32> to vector<128x2048xi32>
    %eq3A_355 = arith.cmpi eq, %select_n3A_332, %eq3A_354 : vector<128x2048xi32>
    %select_n3A_356 = arith.select %eq3A_355, %select_n3A_335, %select_n3A_332 : vector<128x2048xi1>, vector<128x2048xi32>
    %jit3A_357 = arith.constant 2147483647 : i32
    %broadcast_in_dim3A_358 = vector.broadcast %jit3A_357 : i32 to vector<128x2048xi32>
    %select_n3A_359 = arith.select %eq3A_355, %broadcast_in_dim3A_358, %select_n3A_335 : vector<128x2048xi1>, vector<128x2048xi32>
    %reduce_min3A_360 = arith.constant dense<2147483647> : vector<128xi32>
    %reduce_min3A_361 = vector.multi_reduction <minsi>, %select_n3A_356, %reduce_min3A_360 [1] : vector<128x2048xi32> to vector<128xi32>
    %broadcast_in_dim3A_362 = vector.shape_cast %reduce_min3A_361 : vector<128xi32> to vector<128x1xi32>
    %and3A_363 = arith.constant 4095 : i32
    %and3A_364 = vector.broadcast %and3A_363 : i32 to vector<128x1xi32>
    %and3A_365 = arith.andi %broadcast_in_dim3A_362, %and3A_364 : vector<128x1xi32>
    %lt3A_366 = arith.constant 2147483647 : i32
    %lt3A_367 = vector.broadcast %lt3A_366 : i32 to vector<128x1xi32>
    %lt3A_368 = arith.cmpi slt, %broadcast_in_dim3A_362, %lt3A_367 : vector<128x1xi32>
    %select_n3A_369 = arith.select %lt3A_368, %and3A_365, %broadcast_in_dim3A_30 : vector<128x1xi1>, vector<128x1xi32>
    %add3A_370 = vector.broadcast %mul3A_32 : i32 to vector<128x1xi32>
    %add3A_371 = arith.addi %select_n3A_369, %add3A_370 : vector<128x1xi32>
    %swap3A_372 = arith.constant 0 : index
    %swap3A_373 = arith.constant 0 : index
    %swap3A_374 = arith.constant 13 : index
    %swap3A_375 = vector.load %arg4[%swap3A_372, %swap3A_373, %swap3A_374] : memref<1x128x32xi32, #tpu.memory_space<vmem>>, vector<1x128x1xi32>
    %swap3A_376 = vector.shape_cast %swap3A_375 : vector<1x128x1xi32> to vector<128x1xi32>
    %swap3A_377 = vector.shape_cast %add3A_371 : vector<128x1xi32> to vector<1x128x1xi32>
    tpu.vector_store %arg4[%swap3A_372, %swap3A_373, %swap3A_374], %swap3A_377 {strides = array<i32>} : memref<1x128x32xi32, #tpu.memory_space<vmem>>, vector<1x128x1xi32>,
    %eq3A_378 = vector.broadcast %broadcast_in_dim3A_362 : vector<128x1xi32> to vector<128x2048xi32>
    %eq3A_379 = arith.cmpi eq, %select_n3A_356, %eq3A_378 : vector<128x2048xi32>
    %select_n3A_380 = arith.select %eq3A_379, %select_n3A_359, %select_n3A_356 : vector<128x2048xi1>, vector<128x2048xi32>
    %jit3A_381 = arith.constant 2147483647 : i32
    %broadcast_in_dim3A_382 = vector.broadcast %jit3A_381 : i32 to vector<128x2048xi32>
    %select_n3A_383 = arith.select %eq3A_379, %broadcast_in_dim3A_382, %select_n3A_359 : vector<128x2048xi1>, vector<128x2048xi32>
    %reduce_min3A_384 = arith.constant dense<2147483647> : vector<128xi32>
    %reduce_min3A_385 = vector.multi_reduction <minsi>, %select_n3A_380, %reduce_min3A_384 [1] : vector<128x2048xi32> to vector<128xi32>
    %broadcast_in_dim3A_386 = vector.shape_cast %reduce_min3A_385 : vector<128xi32> to vector<128x1xi32>
    %and3A_387 = arith.constant 4095 : i32
    %and3A_388 = vector.broadcast %and3A_387 : i32 to vector<128x1xi32>
    %and3A_389 = arith.andi %broadcast_in_dim3A_386, %and3A_388 : vector<128x1xi32>
    %lt3A_390 = arith.constant 2147483647 : i32
    %lt3A_391 = vector.broadcast %lt3A_390 : i32 to vector<128x1xi32>
    %lt3A_392 = arith.cmpi slt, %broadcast_in_dim3A_386, %lt3A_391 : vector<128x1xi32>
    %select_n3A_393 = arith.select %lt3A_392, %and3A_389, %broadcast_in_dim3A_30 : vector<128x1xi1>, vector<128x1xi32>
    %add3A_394 = vector.broadcast %mul3A_32 : i32 to vector<128x1xi32>
    %add3A_395 = arith.addi %select_n3A_393, %add3A_394 : vector<128x1xi32>
    %swap3A_396 = arith.constant 0 : index
    %swap3A_397 = arith.constant 0 : index
    %swap3A_398 = arith.constant 14 : index
    %swap3A_399 = vector.load %arg4[%swap3A_396, %swap3A_397, %swap3A_398] : memref<1x128x32xi32, #tpu.memory_space<vmem>>, vector<1x128x1xi32>
    %swap3A_400 = vector.shape_cast %swap3A_399 : vector<1x128x1xi32> to vector<128x1xi32>
    %swap3A_401 = vector.shape_cast %add3A_395 : vector<128x1xi32> to vector<1x128x1xi32>
    tpu.vector_store %arg4[%swap3A_396, %swap3A_397, %swap3A_398], %swap3A_401 {strides = array<i32>} : memref<1x128x32xi32, #tpu.memory_space<vmem>>, vector<1x128x1xi32>,
    %eq3A_402 = vector.broadcast %broadcast_in_dim3A_386 : vector<128x1xi32> to vector<128x2048xi32>
    %eq3A_403 = arith.cmpi eq, %select_n3A_380, %eq3A_402 : vector<128x2048xi32>
    %select_n3A_404 = arith.select %eq3A_403, %select_n3A_383, %select_n3A_380 : vector<128x2048xi1>, vector<128x2048xi32>
    %jit3A_405 = arith.constant 2147483647 : i32
    %broadcast_in_dim3A_406 = vector.broadcast %jit3A_405 : i32 to vector<128x2048xi32>
    %select_n3A_407 = arith.select %eq3A_403, %broadcast_in_dim3A_406, %select_n3A_383 : vector<128x2048xi1>, vector<128x2048xi32>
    %reduce_min3A_408 = arith.constant dense<2147483647> : vector<128xi32>
    %reduce_min3A_409 = vector.multi_reduction <minsi>, %select_n3A_404, %reduce_min3A_408 [1] : vector<128x2048xi32> to vector<128xi32>
    %broadcast_in_dim3A_410 = vector.shape_cast %reduce_min3A_409 : vector<128xi32> to vector<128x1xi32>
    %and3A_411 = arith.constant 4095 : i32
    %and3A_412 = vector.broadcast %and3A_411 : i32 to vector<128x1xi32>
    %and3A_413 = arith.andi %broadcast_in_dim3A_410, %and3A_412 : vector<128x1xi32>
    %lt3A_414 = arith.constant 2147483647 : i32
    %lt3A_415 = vector.broadcast %lt3A_414 : i32 to vector<128x1xi32>
    %lt3A_416 = arith.cmpi slt, %broadcast_in_dim3A_410, %lt3A_415 : vector<128x1xi32>
    %select_n3A_417 = arith.select %lt3A_416, %and3A_413, %broadcast_in_dim3A_30 : vector<128x1xi1>, vector<128x1xi32>
    %add3A_418 = vector.broadcast %mul3A_32 : i32 to vector<128x1xi32>
    %add3A_419 = arith.addi %select_n3A_417, %add3A_418 : vector<128x1xi32>
    %swap3A_420 = arith.constant 0 : index
    %swap3A_421 = arith.constant 0 : index
    %swap3A_422 = arith.constant 15 : index
    %swap3A_423 = vector.load %arg4[%swap3A_420, %swap3A_421, %swap3A_422] : memref<1x128x32xi32, #tpu.memory_space<vmem>>, vector<1x128x1xi32>
    %swap3A_424 = vector.shape_cast %swap3A_423 : vector<1x128x1xi32> to vector<128x1xi32>
    %swap3A_425 = vector.shape_cast %add3A_419 : vector<128x1xi32> to vector<1x128x1xi32>
    tpu.vector_store %arg4[%swap3A_420, %swap3A_421, %swap3A_422], %swap3A_425 {strides = array<i32>} : memref<1x128x32xi32, #tpu.memory_space<vmem>>, vector<1x128x1xi32>,
    %eq3A_426 = vector.broadcast %broadcast_in_dim3A_410 : vector<128x1xi32> to vector<128x2048xi32>
    %eq3A_427 = arith.cmpi eq, %select_n3A_404, %eq3A_426 : vector<128x2048xi32>
    %select_n3A_428 = arith.select %eq3A_427, %select_n3A_407, %select_n3A_404 : vector<128x2048xi1>, vector<128x2048xi32>
    %jit3A_429 = arith.constant 2147483647 : i32
    %broadcast_in_dim3A_430 = vector.broadcast %jit3A_429 : i32 to vector<128x2048xi32>
    %select_n3A_431 = arith.select %eq3A_427, %broadcast_in_dim3A_430, %select_n3A_407 : vector<128x2048xi1>, vector<128x2048xi32>
    %reduce_min3A_432 = arith.constant dense<2147483647> : vector<128xi32>
    %reduce_min3A_433 = vector.multi_reduction <minsi>, %select_n3A_428, %reduce_min3A_432 [1] : vector<128x2048xi32> to vector<128xi32>
    %broadcast_in_dim3A_434 = vector.shape_cast %reduce_min3A_433 : vector<128xi32> to vector<128x1xi32>
    %and3A_435 = arith.constant 4095 : i32
    %and3A_436 = vector.broadcast %and3A_435 : i32 to vector<128x1xi32>
    %and3A_437 = arith.andi %broadcast_in_dim3A_434, %and3A_436 : vector<128x1xi32>
    %lt3A_438 = arith.constant 2147483647 : i32
    %lt3A_439 = vector.broadcast %lt3A_438 : i32 to vector<128x1xi32>
    %lt3A_440 = arith.cmpi slt, %broadcast_in_dim3A_434, %lt3A_439 : vector<128x1xi32>
    %select_n3A_441 = arith.select %lt3A_440, %and3A_437, %broadcast_in_dim3A_30 : vector<128x1xi1>, vector<128x1xi32>
    %add3A_442 = vector.broadcast %mul3A_32 : i32 to vector<128x1xi32>
    %add3A_443 = arith.addi %select_n3A_441, %add3A_442 : vector<128x1xi32>
    %swap3A_444 = arith.constant 0 : index
    %swap3A_445 = arith.constant 0 : index
    %swap3A_446 = arith.constant 16 : index
    %swap3A_447 = vector.load %arg4[%swap3A_444, %swap3A_445, %swap3A_446] : memref<1x128x32xi32, #tpu.memory_space<vmem>>, vector<1x128x1xi32>
    %swap3A_448 = vector.shape_cast %swap3A_447 : vector<1x128x1xi32> to vector<128x1xi32>
    %swap3A_449 = vector.shape_cast %add3A_443 : vector<128x1xi32> to vector<1x128x1xi32>
    tpu.vector_store %arg4[%swap3A_444, %swap3A_445, %swap3A_446], %swap3A_449 {strides = array<i32>} : memref<1x128x32xi32, #tpu.memory_space<vmem>>, vector<1x128x1xi32>,
    %eq3A_450 = vector.broadcast %broadcast_in_dim3A_434 : vector<128x1xi32> to vector<128x2048xi32>
    %eq3A_451 = arith.cmpi eq, %select_n3A_428, %eq3A_450 : vector<128x2048xi32>
    %select_n3A_452 = arith.select %eq3A_451, %select_n3A_431, %select_n3A_428 : vector<128x2048xi1>, vector<128x2048xi32>
    %jit3A_453 = arith.constant 2147483647 : i32
    %broadcast_in_dim3A_454 = vector.broadcast %jit3A_453 : i32 to vector<128x2048xi32>
    %select_n3A_455 = arith.select %eq3A_451, %broadcast_in_dim3A_454, %select_n3A_431 : vector<128x2048xi1>, vector<128x2048xi32>
    %reduce_min3A_456 = arith.constant dense<2147483647> : vector<128xi32>
    %reduce_min3A_457 = vector.multi_reduction <minsi>, %select_n3A_452, %reduce_min3A_456 [1] : vector<128x2048xi32> to vector<128xi32>
    %broadcast_in_dim3A_458 = vector.shape_cast %reduce_min3A_457 : vector<128xi32> to vector<128x1xi32>
    %and3A_459 = arith.constant 4095 : i32
    %and3A_460 = vector.broadcast %and3A_459 : i32 to vector<128x1xi32>
    %and3A_461 = arith.andi %broadcast_in_dim3A_458, %and3A_460 : vector<128x1xi32>
    %lt3A_462 = arith.constant 2147483647 : i32
    %lt3A_463 = vector.broadcast %lt3A_462 : i32 to vector<128x1xi32>
    %lt3A_464 = arith.cmpi slt, %broadcast_in_dim3A_458, %lt3A_463 : vector<128x1xi32>
    %select_n3A_465 = arith.select %lt3A_464, %and3A_461, %broadcast_in_dim3A_30 : vector<128x1xi1>, vector<128x1xi32>
    %add3A_466 = vector.broadcast %mul3A_32 : i32 to vector<128x1xi32>
    %add3A_467 = arith.addi %select_n3A_465, %add3A_466 : vector<128x1xi32>
    %swap3A_468 = arith.constant 0 : index
    %swap3A_469 = arith.constant 0 : index
    %swap3A_470 = arith.constant 17 : index
    %swap3A_471 = vector.load %arg4[%swap3A_468, %swap3A_469, %swap3A_470] : memref<1x128x32xi32, #tpu.memory_space<vmem>>, vector<1x128x1xi32>
    %swap3A_472 = vector.shape_cast %swap3A_471 : vector<1x128x1xi32> to vector<128x1xi32>
    %swap3A_473 = vector.shape_cast %add3A_467 : vector<128x1xi32> to vector<1x128x1xi32>
    tpu.vector_store %arg4[%swap3A_468, %swap3A_469, %swap3A_470], %swap3A_473 {strides = array<i32>} : memref<1x128x32xi32, #tpu.memory_space<vmem>>, vector<1x128x1xi32>,
    %eq3A_474 = vector.broadcast %broadcast_in_dim3A_458 : vector<128x1xi32> to vector<128x2048xi32>
    %eq3A_475 = arith.cmpi eq, %select_n3A_452, %eq3A_474 : vector<128x2048xi32>
    %select_n3A_476 = arith.select %eq3A_475, %select_n3A_455, %select_n3A_452 : vector<128x2048xi1>, vector<128x2048xi32>
    %jit3A_477 = arith.constant 2147483647 : i32
    %broadcast_in_dim3A_478 = vector.broadcast %jit3A_477 : i32 to vector<128x2048xi32>
    %select_n3A_479 = arith.select %eq3A_475, %broadcast_in_dim3A_478, %select_n3A_455 : vector<128x2048xi1>, vector<128x2048xi32>
    %reduce_min3A_480 = arith.constant dense<2147483647> : vector<128xi32>
    %reduce_min3A_481 = vector.multi_reduction <minsi>, %select_n3A_476, %reduce_min3A_480 [1] : vector<128x2048xi32> to vector<128xi32>
    %broadcast_in_dim3A_482 = vector.shape_cast %reduce_min3A_481 : vector<128xi32> to vector<128x1xi32>
    %and3A_483 = arith.constant 4095 : i32
    %and3A_484 = vector.broadcast %and3A_483 : i32 to vector<128x1xi32>
    %and3A_485 = arith.andi %broadcast_in_dim3A_482, %and3A_484 : vector<128x1xi32>
    %lt3A_486 = arith.constant 2147483647 : i32
    %lt3A_487 = vector.broadcast %lt3A_486 : i32 to vector<128x1xi32>
    %lt3A_488 = arith.cmpi slt, %broadcast_in_dim3A_482, %lt3A_487 : vector<128x1xi32>
    %select_n3A_489 = arith.select %lt3A_488, %and3A_485, %broadcast_in_dim3A_30 : vector<128x1xi1>, vector<128x1xi32>
    %add3A_490 = vector.broadcast %mul3A_32 : i32 to vector<128x1xi32>
    %add3A_491 = arith.addi %select_n3A_489, %add3A_490 : vector<128x1xi32>
    %swap3A_492 = arith.constant 0 : index
    %swap3A_493 = arith.constant 0 : index
    %swap3A_494 = arith.constant 18 : index
    %swap3A_495 = vector.load %arg4[%swap3A_492, %swap3A_493, %swap3A_494] : memref<1x128x32xi32, #tpu.memory_space<vmem>>, vector<1x128x1xi32>
    %swap3A_496 = vector.shape_cast %swap3A_495 : vector<1x128x1xi32> to vector<128x1xi32>
    %swap3A_497 = vector.shape_cast %add3A_491 : vector<128x1xi32> to vector<1x128x1xi32>
    tpu.vector_store %arg4[%swap3A_492, %swap3A_493, %swap3A_494], %swap3A_497 {strides = array<i32>} : memref<1x128x32xi32, #tpu.memory_space<vmem>>, vector<1x128x1xi32>,
    %eq3A_498 = vector.broadcast %broadcast_in_dim3A_482 : vector<128x1xi32> to vector<128x2048xi32>
    %eq3A_499 = arith.cmpi eq, %select_n3A_476, %eq3A_498 : vector<128x2048xi32>
    %select_n3A_500 = arith.select %eq3A_499, %select_n3A_479, %select_n3A_476 : vector<128x2048xi1>, vector<128x2048xi32>
    %jit3A_501 = arith.constant 2147483647 : i32
    %broadcast_in_dim3A_502 = vector.broadcast %jit3A_501 : i32 to vector<128x2048xi32>
    %select_n3A_503 = arith.select %eq3A_499, %broadcast_in_dim3A_502, %select_n3A_479 : vector<128x2048xi1>, vector<128x2048xi32>
    %reduce_min3A_504 = arith.constant dense<2147483647> : vector<128xi32>
    %reduce_min3A_505 = vector.multi_reduction <minsi>, %select_n3A_500, %reduce_min3A_504 [1] : vector<128x2048xi32> to vector<128xi32>
    %broadcast_in_dim3A_506 = vector.shape_cast %reduce_min3A_505 : vector<128xi32> to vector<128x1xi32>
    %and3A_507 = arith.constant 4095 : i32
    %and3A_508 = vector.broadcast %and3A_507 : i32 to vector<128x1xi32>
    %and3A_509 = arith.andi %broadcast_in_dim3A_506, %and3A_508 : vector<128x1xi32>
    %lt3A_510 = arith.constant 2147483647 : i32
    %lt3A_511 = vector.broadcast %lt3A_510 : i32 to vector<128x1xi32>
    %lt3A_512 = arith.cmpi slt, %broadcast_in_dim3A_506, %lt3A_511 : vector<128x1xi32>
    %select_n3A_513 = arith.select %lt3A_512, %and3A_509, %broadcast_in_dim3A_30 : vector<128x1xi1>, vector<128x1xi32>
    %add3A_514 = vector.broadcast %mul3A_32 : i32 to vector<128x1xi32>
    %add3A_515 = arith.addi %select_n3A_513, %add3A_514 : vector<128x1xi32>
    %swap3A_516 = arith.constant 0 : index
    %swap3A_517 = arith.constant 0 : index
    %swap3A_518 = arith.constant 19 : index
    %swap3A_519 = vector.load %arg4[%swap3A_516, %swap3A_517, %swap3A_518] : memref<1x128x32xi32, #tpu.memory_space<vmem>>, vector<1x128x1xi32>
    %swap3A_520 = vector.shape_cast %swap3A_519 : vector<1x128x1xi32> to vector<128x1xi32>
    %swap3A_521 = vector.shape_cast %add3A_515 : vector<128x1xi32> to vector<1x128x1xi32>
    tpu.vector_store %arg4[%swap3A_516, %swap3A_517, %swap3A_518], %swap3A_521 {strides = array<i32>} : memref<1x128x32xi32, #tpu.memory_space<vmem>>, vector<1x128x1xi32>,
    %eq3A_522 = vector.broadcast %broadcast_in_dim3A_506 : vector<128x1xi32> to vector<128x2048xi32>
    %eq3A_523 = arith.cmpi eq, %select_n3A_500, %eq3A_522 : vector<128x2048xi32>
    %select_n3A_524 = arith.select %eq3A_523, %select_n3A_503, %select_n3A_500 : vector<128x2048xi1>, vector<128x2048xi32>
    %jit3A_525 = arith.constant 2147483647 : i32
    %broadcast_in_dim3A_526 = vector.broadcast %jit3A_525 : i32 to vector<128x2048xi32>
    %select_n3A_527 = arith.select %eq3A_523, %broadcast_in_dim3A_526, %select_n3A_503 : vector<128x2048xi1>, vector<128x2048xi32>
    %reduce_min3A_528 = arith.constant dense<2147483647> : vector<128xi32>
    %reduce_min3A_529 = vector.multi_reduction <minsi>, %select_n3A_524, %reduce_min3A_528 [1] : vector<128x2048xi32> to vector<128xi32>
    %broadcast_in_dim3A_530 = vector.shape_cast %reduce_min3A_529 : vector<128xi32> to vector<128x1xi32>
    %and3A_531 = arith.constant 4095 : i32
    %and3A_532 = vector.broadcast %and3A_531 : i32 to vector<128x1xi32>
    %and3A_533 = arith.andi %broadcast_in_dim3A_530, %and3A_532 : vector<128x1xi32>
    %lt3A_534 = arith.constant 2147483647 : i32
    %lt3A_535 = vector.broadcast %lt3A_534 : i32 to vector<128x1xi32>
    %lt3A_536 = arith.cmpi slt, %broadcast_in_dim3A_530, %lt3A_535 : vector<128x1xi32>
    %select_n3A_537 = arith.select %lt3A_536, %and3A_533, %broadcast_in_dim3A_30 : vector<128x1xi1>, vector<128x1xi32>
    %add3A_538 = vector.broadcast %mul3A_32 : i32 to vector<128x1xi32>
    %add3A_539 = arith.addi %select_n3A_537, %add3A_538 : vector<128x1xi32>
    %swap3A_540 = arith.constant 0 : index
    %swap3A_541 = arith.constant 0 : index
    %swap3A_542 = arith.constant 20 : index
    %swap3A_543 = vector.load %arg4[%swap3A_540, %swap3A_541, %swap3A_542] : memref<1x128x32xi32, #tpu.memory_space<vmem>>, vector<1x128x1xi32>
    %swap3A_544 = vector.shape_cast %swap3A_543 : vector<1x128x1xi32> to vector<128x1xi32>
    %swap3A_545 = vector.shape_cast %add3A_539 : vector<128x1xi32> to vector<1x128x1xi32>
    tpu.vector_store %arg4[%swap3A_540, %swap3A_541, %swap3A_542], %swap3A_545 {strides = array<i32>} : memref<1x128x32xi32, #tpu.memory_space<vmem>>, vector<1x128x1xi32>,
    %eq3A_546 = vector.broadcast %broadcast_in_dim3A_530 : vector<128x1xi32> to vector<128x2048xi32>
    %eq3A_547 = arith.cmpi eq, %select_n3A_524, %eq3A_546 : vector<128x2048xi32>
    %select_n3A_548 = arith.select %eq3A_547, %select_n3A_527, %select_n3A_524 : vector<128x2048xi1>, vector<128x2048xi32>
    %jit3A_549 = arith.constant 2147483647 : i32
    %broadcast_in_dim3A_550 = vector.broadcast %jit3A_549 : i32 to vector<128x2048xi32>
    %select_n3A_551 = arith.select %eq3A_547, %broadcast_in_dim3A_550, %select_n3A_527 : vector<128x2048xi1>, vector<128x2048xi32>
    %reduce_min3A_552 = arith.constant dense<2147483647> : vector<128xi32>
    %reduce_min3A_553 = vector.multi_reduction <minsi>, %select_n3A_548, %reduce_min3A_552 [1] : vector<128x2048xi32> to vector<128xi32>
    %broadcast_in_dim3A_554 = vector.shape_cast %reduce_min3A_553 : vector<128xi32> to vector<128x1xi32>
    %and3A_555 = arith.constant 4095 : i32
    %and3A_556 = vector.broadcast %and3A_555 : i32 to vector<128x1xi32>
    %and3A_557 = arith.andi %broadcast_in_dim3A_554, %and3A_556 : vector<128x1xi32>
    %lt3A_558 = arith.constant 2147483647 : i32
    %lt3A_559 = vector.broadcast %lt3A_558 : i32 to vector<128x1xi32>
    %lt3A_560 = arith.cmpi slt, %broadcast_in_dim3A_554, %lt3A_559 : vector<128x1xi32>
    %select_n3A_561 = arith.select %lt3A_560, %and3A_557, %broadcast_in_dim3A_30 : vector<128x1xi1>, vector<128x1xi32>
    %add3A_562 = vector.broadcast %mul3A_32 : i32 to vector<128x1xi32>
    %add3A_563 = arith.addi %select_n3A_561, %add3A_562 : vector<128x1xi32>
    %swap3A_564 = arith.constant 0 : index
    %swap3A_565 = arith.constant 0 : index
    %swap3A_566 = arith.constant 21 : index
    %swap3A_567 = vector.load %arg4[%swap3A_564, %swap3A_565, %swap3A_566] : memref<1x128x32xi32, #tpu.memory_space<vmem>>, vector<1x128x1xi32>
    %swap3A_568 = vector.shape_cast %swap3A_567 : vector<1x128x1xi32> to vector<128x1xi32>
    %swap3A_569 = vector.shape_cast %add3A_563 : vector<128x1xi32> to vector<1x128x1xi32>
    tpu.vector_store %arg4[%swap3A_564, %swap3A_565, %swap3A_566], %swap3A_569 {strides = array<i32>} : memref<1x128x32xi32, #tpu.memory_space<vmem>>, vector<1x128x1xi32>,
    %eq3A_570 = vector.broadcast %broadcast_in_dim3A_554 : vector<128x1xi32> to vector<128x2048xi32>
    %eq3A_571 = arith.cmpi eq, %select_n3A_548, %eq3A_570 : vector<128x2048xi32>
    %select_n3A_572 = arith.select %eq3A_571, %select_n3A_551, %select_n3A_548 : vector<128x2048xi1>, vector<128x2048xi32>
    %jit3A_573 = arith.constant 2147483647 : i32
    %broadcast_in_dim3A_574 = vector.broadcast %jit3A_573 : i32 to vector<128x2048xi32>
    %select_n3A_575 = arith.select %eq3A_571, %broadcast_in_dim3A_574, %select_n3A_551 : vector<128x2048xi1>, vector<128x2048xi32>
    %reduce_min3A_576 = arith.constant dense<2147483647> : vector<128xi32>
    %reduce_min3A_577 = vector.multi_reduction <minsi>, %select_n3A_572, %reduce_min3A_576 [1] : vector<128x2048xi32> to vector<128xi32>
    %broadcast_in_dim3A_578 = vector.shape_cast %reduce_min3A_577 : vector<128xi32> to vector<128x1xi32>
    %and3A_579 = arith.constant 4095 : i32
    %and3A_580 = vector.broadcast %and3A_579 : i32 to vector<128x1xi32>
    %and3A_581 = arith.andi %broadcast_in_dim3A_578, %and3A_580 : vector<128x1xi32>
    %lt3A_582 = arith.constant 2147483647 : i32
    %lt3A_583 = vector.broadcast %lt3A_582 : i32 to vector<128x1xi32>
    %lt3A_584 = arith.cmpi slt, %broadcast_in_dim3A_578, %lt3A_583 : vector<128x1xi32>
    %select_n3A_585 = arith.select %lt3A_584, %and3A_581, %broadcast_in_dim3A_30 : vector<128x1xi1>, vector<128x1xi32>
    %add3A_586 = vector.broadcast %mul3A_32 : i32 to vector<128x1xi32>
    %add3A_587 = arith.addi %select_n3A_585, %add3A_586 : vector<128x1xi32>
    %swap3A_588 = arith.constant 0 : index
    %swap3A_589 = arith.constant 0 : index
    %swap3A_590 = arith.constant 22 : index
    %swap3A_591 = vector.load %arg4[%swap3A_588, %swap3A_589, %swap3A_590] : memref<1x128x32xi32, #tpu.memory_space<vmem>>, vector<1x128x1xi32>
    %swap3A_592 = vector.shape_cast %swap3A_591 : vector<1x128x1xi32> to vector<128x1xi32>
    %swap3A_593 = vector.shape_cast %add3A_587 : vector<128x1xi32> to vector<1x128x1xi32>
    tpu.vector_store %arg4[%swap3A_588, %swap3A_589, %swap3A_590], %swap3A_593 {strides = array<i32>} : memref<1x128x32xi32, #tpu.memory_space<vmem>>, vector<1x128x1xi32>,
    %eq3A_594 = vector.broadcast %broadcast_in_dim3A_578 : vector<128x1xi32> to vector<128x2048xi32>
    %eq3A_595 = arith.cmpi eq, %select_n3A_572, %eq3A_594 : vector<128x2048xi32>
    %select_n3A_596 = arith.select %eq3A_595, %select_n3A_575, %select_n3A_572 : vector<128x2048xi1>, vector<128x2048xi32>
    %jit3A_597 = arith.constant 2147483647 : i32
    %broadcast_in_dim3A_598 = vector.broadcast %jit3A_597 : i32 to vector<128x2048xi32>
    %select_n3A_599 = arith.select %eq3A_595, %broadcast_in_dim3A_598, %select_n3A_575 : vector<128x2048xi1>, vector<128x2048xi32>
    %reduce_min3A_600 = arith.constant dense<2147483647> : vector<128xi32>
    %reduce_min3A_601 = vector.multi_reduction <minsi>, %select_n3A_596, %reduce_min3A_600 [1] : vector<128x2048xi32> to vector<128xi32>
    %broadcast_in_dim3A_602 = vector.shape_cast %reduce_min3A_601 : vector<128xi32> to vector<128x1xi32>
    %and3A_603 = arith.constant 4095 : i32
    %and3A_604 = vector.broadcast %and3A_603 : i32 to vector<128x1xi32>
    %and3A_605 = arith.andi %broadcast_in_dim3A_602, %and3A_604 : vector<128x1xi32>
    %lt3A_606 = arith.constant 2147483647 : i32
    %lt3A_607 = vector.broadcast %lt3A_606 : i32 to vector<128x1xi32>
    %lt3A_608 = arith.cmpi slt, %broadcast_in_dim3A_602, %lt3A_607 : vector<128x1xi32>
    %select_n3A_609 = arith.select %lt3A_608, %and3A_605, %broadcast_in_dim3A_30 : vector<128x1xi1>, vector<128x1xi32>
    %add3A_610 = vector.broadcast %mul3A_32 : i32 to vector<128x1xi32>
    %add3A_611 = arith.addi %select_n3A_609, %add3A_610 : vector<128x1xi32>
    %swap3A_612 = arith.constant 0 : index
    %swap3A_613 = arith.constant 0 : index
    %swap3A_614 = arith.constant 23 : index
    %swap3A_615 = vector.load %arg4[%swap3A_612, %swap3A_613, %swap3A_614] : memref<1x128x32xi32, #tpu.memory_space<vmem>>, vector<1x128x1xi32>
    %swap3A_616 = vector.shape_cast %swap3A_615 : vector<1x128x1xi32> to vector<128x1xi32>
    %swap3A_617 = vector.shape_cast %add3A_611 : vector<128x1xi32> to vector<1x128x1xi32>
    tpu.vector_store %arg4[%swap3A_612, %swap3A_613, %swap3A_614], %swap3A_617 {strides = array<i32>} : memref<1x128x32xi32, #tpu.memory_space<vmem>>, vector<1x128x1xi32>,
    %eq3A_618 = vector.broadcast %broadcast_in_dim3A_602 : vector<128x1xi32> to vector<128x2048xi32>
    %eq3A_619 = arith.cmpi eq, %select_n3A_596, %eq3A_618 : vector<128x2048xi32>
    %select_n3A_620 = arith.select %eq3A_619, %select_n3A_599, %select_n3A_596 : vector<128x2048xi1>, vector<128x2048xi32>
    %jit3A_621 = arith.constant 2147483647 : i32
    %broadcast_in_dim3A_622 = vector.broadcast %jit3A_621 : i32 to vector<128x2048xi32>
    %select_n3A_623 = arith.select %eq3A_619, %broadcast_in_dim3A_622, %select_n3A_599 : vector<128x2048xi1>, vector<128x2048xi32>
    %reduce_min3A_624 = arith.constant dense<2147483647> : vector<128xi32>
    %reduce_min3A_625 = vector.multi_reduction <minsi>, %select_n3A_620, %reduce_min3A_624 [1] : vector<128x2048xi32> to vector<128xi32>
    %broadcast_in_dim3A_626 = vector.shape_cast %reduce_min3A_625 : vector<128xi32> to vector<128x1xi32>
    %and3A_627 = arith.constant 4095 : i32
    %and3A_628 = vector.broadcast %and3A_627 : i32 to vector<128x1xi32>
    %and3A_629 = arith.andi %broadcast_in_dim3A_626, %and3A_628 : vector<128x1xi32>
    %lt3A_630 = arith.constant 2147483647 : i32
    %lt3A_631 = vector.broadcast %lt3A_630 : i32 to vector<128x1xi32>
    %lt3A_632 = arith.cmpi slt, %broadcast_in_dim3A_626, %lt3A_631 : vector<128x1xi32>
    %select_n3A_633 = arith.select %lt3A_632, %and3A_629, %broadcast_in_dim3A_30 : vector<128x1xi1>, vector<128x1xi32>
    %add3A_634 = vector.broadcast %mul3A_32 : i32 to vector<128x1xi32>
    %add3A_635 = arith.addi %select_n3A_633, %add3A_634 : vector<128x1xi32>
    %swap3A_636 = arith.constant 0 : index
    %swap3A_637 = arith.constant 0 : index
    %swap3A_638 = arith.constant 24 : index
    %swap3A_639 = vector.load %arg4[%swap3A_636, %swap3A_637, %swap3A_638] : memref<1x128x32xi32, #tpu.memory_space<vmem>>, vector<1x128x1xi32>
    %swap3A_640 = vector.shape_cast %swap3A_639 : vector<1x128x1xi32> to vector<128x1xi32>
    %swap3A_641 = vector.shape_cast %add3A_635 : vector<128x1xi32> to vector<1x128x1xi32>
    tpu.vector_store %arg4[%swap3A_636, %swap3A_637, %swap3A_638], %swap3A_641 {strides = array<i32>} : memref<1x128x32xi32, #tpu.memory_space<vmem>>, vector<1x128x1xi32>,
    %eq3A_642 = vector.broadcast %broadcast_in_dim3A_626 : vector<128x1xi32> to vector<128x2048xi32>
    %eq3A_643 = arith.cmpi eq, %select_n3A_620, %eq3A_642 : vector<128x2048xi32>
    %select_n3A_644 = arith.select %eq3A_643, %select_n3A_623, %select_n3A_620 : vector<128x2048xi1>, vector<128x2048xi32>
    %jit3A_645 = arith.constant 2147483647 : i32
    %broadcast_in_dim3A_646 = vector.broadcast %jit3A_645 : i32 to vector<128x2048xi32>
    %select_n3A_647 = arith.select %eq3A_643, %broadcast_in_dim3A_646, %select_n3A_623 : vector<128x2048xi1>, vector<128x2048xi32>
    %reduce_min3A_648 = arith.constant dense<2147483647> : vector<128xi32>
    %reduce_min3A_649 = vector.multi_reduction <minsi>, %select_n3A_644, %reduce_min3A_648 [1] : vector<128x2048xi32> to vector<128xi32>
    %broadcast_in_dim3A_650 = vector.shape_cast %reduce_min3A_649 : vector<128xi32> to vector<128x1xi32>
    %and3A_651 = arith.constant 4095 : i32
    %and3A_652 = vector.broadcast %and3A_651 : i32 to vector<128x1xi32>
    %and3A_653 = arith.andi %broadcast_in_dim3A_650, %and3A_652 : vector<128x1xi32>
    %lt3A_654 = arith.constant 2147483647 : i32
    %lt3A_655 = vector.broadcast %lt3A_654 : i32 to vector<128x1xi32>
    %lt3A_656 = arith.cmpi slt, %broadcast_in_dim3A_650, %lt3A_655 : vector<128x1xi32>
    %select_n3A_657 = arith.select %lt3A_656, %and3A_653, %broadcast_in_dim3A_30 : vector<128x1xi1>, vector<128x1xi32>
    %add3A_658 = vector.broadcast %mul3A_32 : i32 to vector<128x1xi32>
    %add3A_659 = arith.addi %select_n3A_657, %add3A_658 : vector<128x1xi32>
    %swap3A_660 = arith.constant 0 : index
    %swap3A_661 = arith.constant 0 : index
    %swap3A_662 = arith.constant 25 : index
    %swap3A_663 = vector.load %arg4[%swap3A_660, %swap3A_661, %swap3A_662] : memref<1x128x32xi32, #tpu.memory_space<vmem>>, vector<1x128x1xi32>
    %swap3A_664 = vector.shape_cast %swap3A_663 : vector<1x128x1xi32> to vector<128x1xi32>
    %swap3A_665 = vector.shape_cast %add3A_659 : vector<128x1xi32> to vector<1x128x1xi32>
    tpu.vector_store %arg4[%swap3A_660, %swap3A_661, %swap3A_662], %swap3A_665 {strides = array<i32>} : memref<1x128x32xi32, #tpu.memory_space<vmem>>, vector<1x128x1xi32>,
    %eq3A_666 = vector.broadcast %broadcast_in_dim3A_650 : vector<128x1xi32> to vector<128x2048xi32>
    %eq3A_667 = arith.cmpi eq, %select_n3A_644, %eq3A_666 : vector<128x2048xi32>
    %select_n3A_668 = arith.select %eq3A_667, %select_n3A_647, %select_n3A_644 : vector<128x2048xi1>, vector<128x2048xi32>
    %jit3A_669 = arith.constant 2147483647 : i32
    %broadcast_in_dim3A_670 = vector.broadcast %jit3A_669 : i32 to vector<128x2048xi32>
    %select_n3A_671 = arith.select %eq3A_667, %broadcast_in_dim3A_670, %select_n3A_647 : vector<128x2048xi1>, vector<128x2048xi32>
    %reduce_min3A_672 = arith.constant dense<2147483647> : vector<128xi32>
    %reduce_min3A_673 = vector.multi_reduction <minsi>, %select_n3A_668, %reduce_min3A_672 [1] : vector<128x2048xi32> to vector<128xi32>
    %broadcast_in_dim3A_674 = vector.shape_cast %reduce_min3A_673 : vector<128xi32> to vector<128x1xi32>
    %and3A_675 = arith.constant 4095 : i32
    %and3A_676 = vector.broadcast %and3A_675 : i32 to vector<128x1xi32>
    %and3A_677 = arith.andi %broadcast_in_dim3A_674, %and3A_676 : vector<128x1xi32>
    %lt3A_678 = arith.constant 2147483647 : i32
    %lt3A_679 = vector.broadcast %lt3A_678 : i32 to vector<128x1xi32>
    %lt3A_680 = arith.cmpi slt, %broadcast_in_dim3A_674, %lt3A_679 : vector<128x1xi32>
    %select_n3A_681 = arith.select %lt3A_680, %and3A_677, %broadcast_in_dim3A_30 : vector<128x1xi1>, vector<128x1xi32>
    %add3A_682 = vector.broadcast %mul3A_32 : i32 to vector<128x1xi32>
    %add3A_683 = arith.addi %select_n3A_681, %add3A_682 : vector<128x1xi32>
    %swap3A_684 = arith.constant 0 : index
    %swap3A_685 = arith.constant 0 : index
    %swap3A_686 = arith.constant 26 : index
    %swap3A_687 = vector.load %arg4[%swap3A_684, %swap3A_685, %swap3A_686] : memref<1x128x32xi32, #tpu.memory_space<vmem>>, vector<1x128x1xi32>
    %swap3A_688 = vector.shape_cast %swap3A_687 : vector<1x128x1xi32> to vector<128x1xi32>
    %swap3A_689 = vector.shape_cast %add3A_683 : vector<128x1xi32> to vector<1x128x1xi32>
    tpu.vector_store %arg4[%swap3A_684, %swap3A_685, %swap3A_686], %swap3A_689 {strides = array<i32>} : memref<1x128x32xi32, #tpu.memory_space<vmem>>, vector<1x128x1xi32>,
    %eq3A_690 = vector.broadcast %broadcast_in_dim3A_674 : vector<128x1xi32> to vector<128x2048xi32>
    %eq3A_691 = arith.cmpi eq, %select_n3A_668, %eq3A_690 : vector<128x2048xi32>
    %select_n3A_692 = arith.select %eq3A_691, %select_n3A_671, %select_n3A_668 : vector<128x2048xi1>, vector<128x2048xi32>
    %jit3A_693 = arith.constant 2147483647 : i32
    %broadcast_in_dim3A_694 = vector.broadcast %jit3A_693 : i32 to vector<128x2048xi32>
    %select_n3A_695 = arith.select %eq3A_691, %broadcast_in_dim3A_694, %select_n3A_671 : vector<128x2048xi1>, vector<128x2048xi32>
    %reduce_min3A_696 = arith.constant dense<2147483647> : vector<128xi32>
    %reduce_min3A_697 = vector.multi_reduction <minsi>, %select_n3A_692, %reduce_min3A_696 [1] : vector<128x2048xi32> to vector<128xi32>
    %broadcast_in_dim3A_698 = vector.shape_cast %reduce_min3A_697 : vector<128xi32> to vector<128x1xi32>
    %and3A_699 = arith.constant 4095 : i32
    %and3A_700 = vector.broadcast %and3A_699 : i32 to vector<128x1xi32>
    %and3A_701 = arith.andi %broadcast_in_dim3A_698, %and3A_700 : vector<128x1xi32>
    %lt3A_702 = arith.constant 2147483647 : i32
    %lt3A_703 = vector.broadcast %lt3A_702 : i32 to vector<128x1xi32>
    %lt3A_704 = arith.cmpi slt, %broadcast_in_dim3A_698, %lt3A_703 : vector<128x1xi32>
    %select_n3A_705 = arith.select %lt3A_704, %and3A_701, %broadcast_in_dim3A_30 : vector<128x1xi1>, vector<128x1xi32>
    %add3A_706 = vector.broadcast %mul3A_32 : i32 to vector<128x1xi32>
    %add3A_707 = arith.addi %select_n3A_705, %add3A_706 : vector<128x1xi32>
    %swap3A_708 = arith.constant 0 : index
    %swap3A_709 = arith.constant 0 : index
    %swap3A_710 = arith.constant 27 : index
    %swap3A_711 = vector.load %arg4[%swap3A_708, %swap3A_709, %swap3A_710] : memref<1x128x32xi32, #tpu.memory_space<vmem>>, vector<1x128x1xi32>
    %swap3A_712 = vector.shape_cast %swap3A_711 : vector<1x128x1xi32> to vector<128x1xi32>
    %swap3A_713 = vector.shape_cast %add3A_707 : vector<128x1xi32> to vector<1x128x1xi32>
    tpu.vector_store %arg4[%swap3A_708, %swap3A_709, %swap3A_710], %swap3A_713 {strides = array<i32>} : memref<1x128x32xi32, #tpu.memory_space<vmem>>, vector<1x128x1xi32>,
    %eq3A_714 = vector.broadcast %broadcast_in_dim3A_698 : vector<128x1xi32> to vector<128x2048xi32>
    %eq3A_715 = arith.cmpi eq, %select_n3A_692, %eq3A_714 : vector<128x2048xi32>
    %select_n3A_716 = arith.select %eq3A_715, %select_n3A_695, %select_n3A_692 : vector<128x2048xi1>, vector<128x2048xi32>
    %jit3A_717 = arith.constant 2147483647 : i32
    %broadcast_in_dim3A_718 = vector.broadcast %jit3A_717 : i32 to vector<128x2048xi32>
    %select_n3A_719 = arith.select %eq3A_715, %broadcast_in_dim3A_718, %select_n3A_695 : vector<128x2048xi1>, vector<128x2048xi32>
    %reduce_min3A_720 = arith.constant dense<2147483647> : vector<128xi32>
    %reduce_min3A_721 = vector.multi_reduction <minsi>, %select_n3A_716, %reduce_min3A_720 [1] : vector<128x2048xi32> to vector<128xi32>
    %broadcast_in_dim3A_722 = vector.shape_cast %reduce_min3A_721 : vector<128xi32> to vector<128x1xi32>
    %and3A_723 = arith.constant 4095 : i32
    %and3A_724 = vector.broadcast %and3A_723 : i32 to vector<128x1xi32>
    %and3A_725 = arith.andi %broadcast_in_dim3A_722, %and3A_724 : vector<128x1xi32>
    %lt3A_726 = arith.constant 2147483647 : i32
    %lt3A_727 = vector.broadcast %lt3A_726 : i32 to vector<128x1xi32>
    %lt3A_728 = arith.cmpi slt, %broadcast_in_dim3A_722, %lt3A_727 : vector<128x1xi32>
    %select_n3A_729 = arith.select %lt3A_728, %and3A_725, %broadcast_in_dim3A_30 : vector<128x1xi1>, vector<128x1xi32>
    %add3A_730 = vector.broadcast %mul3A_32 : i32 to vector<128x1xi32>
    %add3A_731 = arith.addi %select_n3A_729, %add3A_730 : vector<128x1xi32>
    %swap3A_732 = arith.constant 0 : index
    %swap3A_733 = arith.constant 0 : index
    %swap3A_734 = arith.constant 28 : index
    %swap3A_735 = vector.load %arg4[%swap3A_732, %swap3A_733, %swap3A_734] : memref<1x128x32xi32, #tpu.memory_space<vmem>>, vector<1x128x1xi32>
    %swap3A_736 = vector.shape_cast %swap3A_735 : vector<1x128x1xi32> to vector<128x1xi32>
    %swap3A_737 = vector.shape_cast %add3A_731 : vector<128x1xi32> to vector<1x128x1xi32>
    tpu.vector_store %arg4[%swap3A_732, %swap3A_733, %swap3A_734], %swap3A_737 {strides = array<i32>} : memref<1x128x32xi32, #tpu.memory_space<vmem>>, vector<1x128x1xi32>,
    %eq3A_738 = vector.broadcast %broadcast_in_dim3A_722 : vector<128x1xi32> to vector<128x2048xi32>
    %eq3A_739 = arith.cmpi eq, %select_n3A_716, %eq3A_738 : vector<128x2048xi32>
    %select_n3A_740 = arith.select %eq3A_739, %select_n3A_719, %select_n3A_716 : vector<128x2048xi1>, vector<128x2048xi32>
    %jit3A_741 = arith.constant 2147483647 : i32
    %broadcast_in_dim3A_742 = vector.broadcast %jit3A_741 : i32 to vector<128x2048xi32>
    %select_n3A_743 = arith.select %eq3A_739, %broadcast_in_dim3A_742, %select_n3A_719 : vector<128x2048xi1>, vector<128x2048xi32>
    %reduce_min3A_744 = arith.constant dense<2147483647> : vector<128xi32>
    %reduce_min3A_745 = vector.multi_reduction <minsi>, %select_n3A_740, %reduce_min3A_744 [1] : vector<128x2048xi32> to vector<128xi32>
    %broadcast_in_dim3A_746 = vector.shape_cast %reduce_min3A_745 : vector<128xi32> to vector<128x1xi32>
    %and3A_747 = arith.constant 4095 : i32
    %and3A_748 = vector.broadcast %and3A_747 : i32 to vector<128x1xi32>
    %and3A_749 = arith.andi %broadcast_in_dim3A_746, %and3A_748 : vector<128x1xi32>
    %lt3A_750 = arith.constant 2147483647 : i32
    %lt3A_751 = vector.broadcast %lt3A_750 : i32 to vector<128x1xi32>
    %lt3A_752 = arith.cmpi slt, %broadcast_in_dim3A_746, %lt3A_751 : vector<128x1xi32>
    %select_n3A_753 = arith.select %lt3A_752, %and3A_749, %broadcast_in_dim3A_30 : vector<128x1xi1>, vector<128x1xi32>
    %add3A_754 = vector.broadcast %mul3A_32 : i32 to vector<128x1xi32>
    %add3A_755 = arith.addi %select_n3A_753, %add3A_754 : vector<128x1xi32>
    %swap3A_756 = arith.constant 0 : index
    %swap3A_757 = arith.constant 0 : index
    %swap3A_758 = arith.constant 29 : index
    %swap3A_759 = vector.load %arg4[%swap3A_756, %swap3A_757, %swap3A_758] : memref<1x128x32xi32, #tpu.memory_space<vmem>>, vector<1x128x1xi32>
    %swap3A_760 = vector.shape_cast %swap3A_759 : vector<1x128x1xi32> to vector<128x1xi32>
    %swap3A_761 = vector.shape_cast %add3A_755 : vector<128x1xi32> to vector<1x128x1xi32>
    tpu.vector_store %arg4[%swap3A_756, %swap3A_757, %swap3A_758], %swap3A_761 {strides = array<i32>} : memref<1x128x32xi32, #tpu.memory_space<vmem>>, vector<1x128x1xi32>,
    %eq3A_762 = vector.broadcast %broadcast_in_dim3A_746 : vector<128x1xi32> to vector<128x2048xi32>
    %eq3A_763 = arith.cmpi eq, %select_n3A_740, %eq3A_762 : vector<128x2048xi32>
    %select_n3A_764 = arith.select %eq3A_763, %select_n3A_743, %select_n3A_740 : vector<128x2048xi1>, vector<128x2048xi32>
    %jit3A_765 = arith.constant 2147483647 : i32
    %broadcast_in_dim3A_766 = vector.broadcast %jit3A_765 : i32 to vector<128x2048xi32>
    %select_n3A_767 = arith.select %eq3A_763, %broadcast_in_dim3A_766, %select_n3A_743 : vector<128x2048xi1>, vector<128x2048xi32>
    %reduce_min3A_768 = arith.constant dense<2147483647> : vector<128xi32>
    %reduce_min3A_769 = vector.multi_reduction <minsi>, %select_n3A_764, %reduce_min3A_768 [1] : vector<128x2048xi32> to vector<128xi32>
    %broadcast_in_dim3A_770 = vector.shape_cast %reduce_min3A_769 : vector<128xi32> to vector<128x1xi32>
    %and3A_771 = arith.constant 4095 : i32
    %and3A_772 = vector.broadcast %and3A_771 : i32 to vector<128x1xi32>
    %and3A_773 = arith.andi %broadcast_in_dim3A_770, %and3A_772 : vector<128x1xi32>
    %lt3A_774 = arith.constant 2147483647 : i32
    %lt3A_775 = vector.broadcast %lt3A_774 : i32 to vector<128x1xi32>
    %lt3A_776 = arith.cmpi slt, %broadcast_in_dim3A_770, %lt3A_775 : vector<128x1xi32>
    %select_n3A_777 = arith.select %lt3A_776, %and3A_773, %broadcast_in_dim3A_30 : vector<128x1xi1>, vector<128x1xi32>
    %add3A_778 = vector.broadcast %mul3A_32 : i32 to vector<128x1xi32>
    %add3A_779 = arith.addi %select_n3A_777, %add3A_778 : vector<128x1xi32>
    %swap3A_780 = arith.constant 0 : index
    %swap3A_781 = arith.constant 0 : index
    %swap3A_782 = arith.constant 30 : index
    %swap3A_783 = vector.load %arg4[%swap3A_780, %swap3A_781, %swap3A_782] : memref<1x128x32xi32, #tpu.memory_space<vmem>>, vector<1x128x1xi32>
    %swap3A_784 = vector.shape_cast %swap3A_783 : vector<1x128x1xi32> to vector<128x1xi32>
    %swap3A_785 = vector.shape_cast %add3A_779 : vector<128x1xi32> to vector<1x128x1xi32>
    tpu.vector_store %arg4[%swap3A_780, %swap3A_781, %swap3A_782], %swap3A_785 {strides = array<i32>} : memref<1x128x32xi32, #tpu.memory_space<vmem>>, vector<1x128x1xi32>,
    %eq3A_786 = vector.broadcast %broadcast_in_dim3A_770 : vector<128x1xi32> to vector<128x2048xi32>
    %eq3A_787 = arith.cmpi eq, %select_n3A_764, %eq3A_786 : vector<128x2048xi32>
    %select_n3A_788 = arith.select %eq3A_787, %select_n3A_767, %select_n3A_764 : vector<128x2048xi1>, vector<128x2048xi32>
    %reduce_min3A_789 = arith.constant dense<2147483647> : vector<128xi32>
    %reduce_min3A_790 = vector.multi_reduction <minsi>, %select_n3A_788, %reduce_min3A_789 [1] : vector<128x2048xi32> to vector<128xi32>
    %broadcast_in_dim3A_791 = vector.shape_cast %reduce_min3A_790 : vector<128xi32> to vector<128x1xi32>
    %and3A_792 = arith.constant 4095 : i32
    %and3A_793 = vector.broadcast %and3A_792 : i32 to vector<128x1xi32>
    %and3A_794 = arith.andi %broadcast_in_dim3A_791, %and3A_793 : vector<128x1xi32>
    %lt3A_795 = arith.constant 2147483647 : i32
    %lt3A_796 = vector.broadcast %lt3A_795 : i32 to vector<128x1xi32>
    %lt3A_797 = arith.cmpi slt, %broadcast_in_dim3A_791, %lt3A_796 : vector<128x1xi32>
    %select_n3A_798 = arith.select %lt3A_797, %and3A_794, %broadcast_in_dim3A_30 : vector<128x1xi1>, vector<128x1xi32>
    %add3A_799 = vector.broadcast %mul3A_32 : i32 to vector<128x1xi32>
    %add3A_800 = arith.addi %select_n3A_798, %add3A_799 : vector<128x1xi32>
    %swap3A_801 = arith.constant 0 : index
    %swap3A_802 = arith.constant 0 : index
    %swap3A_803 = arith.constant 31 : index
    %swap3A_804 = vector.load %arg4[%swap3A_801, %swap3A_802, %swap3A_803] : memref<1x128x32xi32, #tpu.memory_space<vmem>>, vector<1x128x1xi32>
    %swap3A_805 = vector.shape_cast %swap3A_804 : vector<1x128x1xi32> to vector<128x1xi32>
    %swap3A_806 = vector.shape_cast %add3A_800 : vector<128x1xi32> to vector<1x128x1xi32>
    tpu.vector_store %arg4[%swap3A_801, %swap3A_802, %swap3A_803], %swap3A_806 {strides = array<i32>} : memref<1x128x32xi32, #tpu.memory_space<vmem>>, vector<1x128x1xi32>,
    return
  }
  func.func @transform_0(%arg0: i32, %arg1: i32) -> (i32, i32, i32) {
    %c0_i32 = arith.constant 0 : i32
    %c0_i32_0 = arith.constant 0 : i32
    %c0_i32_1 = arith.constant 0 : i32
    return %arg0, %c0_i32, %c0_i32_0 : i32, i32, i32
  }
  func.func @transform_1(%arg0: i32, %arg1: i32) -> (i32, i32, i32) {
    %c0_i32 = arith.constant 0 : i32
    %c0_i32_0 = arith.constant 0 : i32
    return %arg0, %arg1, %c0_i32 : i32, i32, i32
  }
  func.func @transform_2(%arg0: i32, %arg1: i32) -> (i32, i32, i32) {
    %c0_i32 = arith.constant 0 : i32
    %c0_i32_0 = arith.constant 0 : i32
    return %arg0, %arg1, %c0_i32 : i32, i32, i32
  }
}

module attributes {stable_mosaic.version = 14 : i64} {
  func.func @_passA_body(%arg0: i32, %arg1: memref<128x32x80xf32, #tpu.memory_space<vmem>>, %arg2: memref<128x3xf32, #tpu.memory_space<vmem>>, %arg3: memref<80x64xf32, #tpu.memory_space<vmem>>, %arg4: memref<3x64xf32, #tpu.memory_space<vmem>>, %arg5: memref<1x64xf32, #tpu.memory_space<vmem>>, %arg6: memref<128x32x64xf32, #tpu.memory_space<vmem>>, %arg7: memref<2x64xf32, #tpu.memory_space<vmem>>) attributes {dimension_semantics = [#tpu.dimension_semantics<arbitrary>], iteration_bounds = array<i64: 128>, scalar_prefetch = 0 : i64, scratch_operands = 0 : i64, tpu.core_type = #tpu.core_type<tc>, window_params = [{transform_indices = @transform_0, window_bounds = array<i64: 128, 32, 80>}, {transform_indices = @transform_1, window_bounds = array<i64: 128, 3>}, {pipeline_mode = #tpu.pipeline_mode<synchronous>, transform_indices = @transform_2, window_bounds = array<i64: 80, 64>}, {pipeline_mode = #tpu.pipeline_mode<synchronous>, transform_indices = @transform_3, window_bounds = array<i64: 3, 64>}, {pipeline_mode = #tpu.pipeline_mode<synchronous>, transform_indices = @transform_4, window_bounds = array<i64: 1, 64>}, {transform_indices = @transform_5, window_bounds = array<i64: 128, 32, 64>}, {pipeline_mode = #tpu.pipeline_mode<synchronous>, transform_indices = @transform_6, window_bounds = array<i64: 2, 64>}]} {
    %get3A = arith.constant 0 : index
    %get3A_0 = arith.constant 0 : index
    %get3A_1 = arith.constant 0 : index
    %get3A_2 = vector.load %arg1[%get3A, %get3A_0, %get3A_1] : memref<128x32x80xf32, #tpu.memory_space<vmem>>, vector<128x32x80xf32>
    %get3A_3 = arith.constant 0 : index
    %get3A_4 = arith.constant 0 : index
    %get3A_5 = vector.load %arg3[%get3A_3, %get3A_4] : memref<80x64xf32, #tpu.memory_space<vmem>>, vector<80x64xf32>
    %dot_general3A = arith.constant dense<0.000000e+00> : vector<128x32x64xf32>
    %dot_general3A_6 = tpu.matmul %get3A_2, %get3A_5, %dot_general3A {dimension_numbers = #tpu.dot_dimension_numbers<[2], [0], [0, 1], [1], [0, 0, 0, 1, 1, 1], [], []>, transpose_lhs_hint = false} : vector<128x32x80xf32>, vector<80x64xf32>, vector<128x32x64xf32> -> vector<128x32x64xf32>
    %get3A_7 = arith.constant 0 : index
    %get3A_8 = arith.constant 0 : index
    %get3A_9 = vector.load %arg2[%get3A_7, %get3A_8] : memref<128x3xf32, #tpu.memory_space<vmem>>, vector<128x3xf32>
    %get3A_10 = arith.constant 0 : index
    %get3A_11 = arith.constant 0 : index
    %get3A_12 = vector.load %arg4[%get3A_10, %get3A_11] : memref<3x64xf32, #tpu.memory_space<vmem>>, vector<3x64xf32>
    %dot_general3A_13 = arith.constant dense<0.000000e+00> : vector<128x64xf32>
    %dot_general3A_14 = tpu.matmul %get3A_9, %get3A_12, %dot_general3A_13 {dimension_numbers = #tpu.dot_dimension_numbers<[1], [0], [0], [1], [0, 0, 1, 1], [], []>, transpose_lhs_hint = false} : vector<128x3xf32>, vector<3x64xf32>, vector<128x64xf32> -> vector<128x64xf32>
    %get3A_15 = arith.constant 0 : index
    %get3A_16 = arith.constant 0 : index
    %get3A_17 = vector.load %arg5[%get3A_15, %get3A_16] : memref<1x64xf32, #tpu.memory_space<vmem>>, vector<1x64xf32>
    %reshape3A = vector.shape_cast %get3A_17 : vector<1x64xf32> to vector<1x1x64xf32>
    %add3A = vector.broadcast %reshape3A : vector<1x1x64xf32> to vector<128x32x64xf32>
    %add3A_18 = arith.addf %dot_general3A_6, %add3A : vector<128x32x64xf32>
    %broadcast_in_dim3A = vector.shape_cast %dot_general3A_14 : vector<128x64xf32> to vector<128x1x64xf32>
    %sub3A = vector.broadcast %broadcast_in_dim3A : vector<128x1x64xf32> to vector<128x32x64xf32>
    %sub3A_19 = arith.subf %add3A_18, %sub3A : vector<128x32x64xf32>
    %swap3A = arith.constant 0 : index
    %swap3A_20 = arith.constant 0 : index
    %swap3A_21 = arith.constant 0 : index
    %swap3A_22 = vector.load %arg6[%swap3A, %swap3A_20, %swap3A_21] : memref<128x32x64xf32, #tpu.memory_space<vmem>>, vector<128x32x64xf32>
    tpu.vector_store %arg6[%swap3A, %swap3A_20, %swap3A_21], %sub3A_19 {strides = array<i32>} : memref<128x32x64xf32, #tpu.memory_space<vmem>>, vector<128x32x64xf32>,
    %reduce_sum3A = arith.constant dense<0.000000e+00> : vector<64xf32>
    %reduce_sum3A_23 = vector.multi_reduction <add>, %sub3A_19, %reduce_sum3A [0, 1] : vector<128x32x64xf32> to vector<64xf32>
    %reshape3A_24 = vector.shape_cast %reduce_sum3A_23 : vector<64xf32> to vector<1x64xf32>
    %mul3A = arith.mulf %sub3A_19, %sub3A_19 : vector<128x32x64xf32>
    %reduce_sum3A_25 = arith.constant dense<0.000000e+00> : vector<64xf32>
    %reduce_sum3A_26 = vector.multi_reduction <add>, %mul3A, %reduce_sum3A_25 [0, 1] : vector<128x32x64xf32> to vector<64xf32>
    %reshape3A_27 = vector.shape_cast %reduce_sum3A_26 : vector<64xf32> to vector<1x64xf32>
    %concatenate3A = tpu.concatenate %reshape3A_24, %reshape3A_27 in 0 : vector<1x64xf32>, vector<1x64xf32> -> vector<2x64xf32>
    %eq3A = arith.constant 0 : i32
    %eq3A_28 = arith.cmpi eq, %arg0, %eq3A : i32
    %convert_element_type3A = arith.extui %eq3A_28 : i1 to i32
    %cond3A = arith.constant 0 : i32
    %cond3A_29 = arith.cmpi ne, %convert_element_type3A, %cond3A : i32
    scf.if %cond3A_29 {
      %swap3A_34 = arith.constant 0 : index
      %swap3A_35 = arith.constant 0 : index
      %swap3A_36 = vector.load %arg7[%swap3A_34, %swap3A_35] : memref<2x64xf32, #tpu.memory_space<vmem>>, vector<2x64xf32>
      tpu.vector_store %arg7[%swap3A_34, %swap3A_35], %concatenate3A {strides = array<i32>} : memref<2x64xf32, #tpu.memory_space<vmem>>, vector<2x64xf32>,
    } else {
    }
    %gt3A = arith.constant 0 : i32
    %gt3A_30 = arith.cmpi sgt, %arg0, %gt3A : i32
    %convert_element_type3A_31 = arith.extui %gt3A_30 : i1 to i32
    %cond3A_32 = arith.constant 0 : i32
    %cond3A_33 = arith.cmpi ne, %convert_element_type3A_31, %cond3A_32 : i32
    scf.if %cond3A_33 {
      %get3A_34 = arith.constant 0 : index
      %get3A_35 = arith.constant 0 : index
      %get3A_36 = vector.load %arg7[%get3A_34, %get3A_35] : memref<2x64xf32, #tpu.memory_space<vmem>>, vector<2x64xf32>
      %add3A_37 = arith.addf %get3A_36, %concatenate3A : vector<2x64xf32>
      %swap3A_38 = arith.constant 0 : index
      %swap3A_39 = arith.constant 0 : index
      %swap3A_40 = vector.load %arg7[%swap3A_38, %swap3A_39] : memref<2x64xf32, #tpu.memory_space<vmem>>, vector<2x64xf32>
      tpu.vector_store %arg7[%swap3A_38, %swap3A_39], %add3A_37 {strides = array<i32>} : memref<2x64xf32, #tpu.memory_space<vmem>>, vector<2x64xf32>,
    } else {
    }
    return
  }
  func.func @transform_0(%arg0: i32) -> (i32, i32, i32) {
    %c0_i32 = arith.constant 0 : i32
    %c0_i32_0 = arith.constant 0 : i32
    %c0_i32_1 = arith.constant 0 : i32
    return %arg0, %c0_i32, %c0_i32_0 : i32, i32, i32
  }
  func.func @transform_1(%arg0: i32) -> (i32, i32) {
    %c0_i32 = arith.constant 0 : i32
    %c0_i32_0 = arith.constant 0 : i32
    return %arg0, %c0_i32 : i32, i32
  }
  func.func @transform_2(%arg0: i32) -> (i32, i32) {
    %c0_i32 = arith.constant 0 : i32
    %c0_i32_0 = arith.constant 0 : i32
    %c0_i32_1 = arith.constant 0 : i32
    return %c0_i32, %c0_i32_0 : i32, i32
  }
  func.func @transform_3(%arg0: i32) -> (i32, i32) {
    %c0_i32 = arith.constant 0 : i32
    %c0_i32_0 = arith.constant 0 : i32
    %c0_i32_1 = arith.constant 0 : i32
    return %c0_i32, %c0_i32_0 : i32, i32
  }
  func.func @transform_4(%arg0: i32) -> (i32, i32) {
    %c0_i32 = arith.constant 0 : i32
    %c0_i32_0 = arith.constant 0 : i32
    %c0_i32_1 = arith.constant 0 : i32
    return %c0_i32, %c0_i32_0 : i32, i32
  }
  func.func @transform_5(%arg0: i32) -> (i32, i32, i32) {
    %c0_i32 = arith.constant 0 : i32
    %c0_i32_0 = arith.constant 0 : i32
    %c0_i32_1 = arith.constant 0 : i32
    return %arg0, %c0_i32, %c0_i32_0 : i32, i32, i32
  }
  func.func @transform_6(%arg0: i32) -> (i32, i32) {
    %c0_i32 = arith.constant 0 : i32
    %c0_i32_0 = arith.constant 0 : i32
    %c0_i32_1 = arith.constant 0 : i32
    return %c0_i32, %c0_i32_0 : i32, i32
  }
}

module attributes {stable_mosaic.version = 14 : i64} {
  func.func @_passC_body(%arg0: i32, %arg1: memref<128x32x64xf32, #tpu.memory_space<vmem>>, %arg2: memref<2x64xf32, #tpu.memory_space<vmem>>, %arg3: memref<1x64xf32, #tpu.memory_space<vmem>>, %arg4: memref<1x64xf32, #tpu.memory_space<vmem>>, %arg5: memref<64x128xf32, #tpu.memory_space<vmem>>, %arg6: memref<1x128xf32, #tpu.memory_space<vmem>>, %arg7: memref<2x128xf32, #tpu.memory_space<vmem>>) attributes {dimension_semantics = [#tpu.dimension_semantics<arbitrary>], iteration_bounds = array<i64: 128>, scalar_prefetch = 0 : i64, scratch_operands = 0 : i64, tpu.core_type = #tpu.core_type<tc>, window_params = [{transform_indices = @transform_0, window_bounds = array<i64: 128, 32, 64>}, {pipeline_mode = #tpu.pipeline_mode<synchronous>, transform_indices = @transform_1, window_bounds = array<i64: 2, 64>}, {pipeline_mode = #tpu.pipeline_mode<synchronous>, transform_indices = @transform_2, window_bounds = array<i64: 1, 64>}, {pipeline_mode = #tpu.pipeline_mode<synchronous>, transform_indices = @transform_3, window_bounds = array<i64: 1, 64>}, {pipeline_mode = #tpu.pipeline_mode<synchronous>, transform_indices = @transform_4, window_bounds = array<i64: 64, 128>}, {pipeline_mode = #tpu.pipeline_mode<synchronous>, transform_indices = @transform_5, window_bounds = array<i64: 1, 128>}, {pipeline_mode = #tpu.pipeline_mode<synchronous>, transform_indices = @transform_6, window_bounds = array<i64: 2, 128>}]} {
    %get3A = arith.constant 0 : index
    %get3A_0 = arith.constant 0 : index
    %get3A_1 = arith.constant 0 : index
    %get3A_2 = vector.load %arg1[%get3A, %get3A_0, %get3A_1] : memref<128x32x64xf32, #tpu.memory_space<vmem>>, vector<128x32x64xf32>
    %get3A_3 = arith.constant 0 : index
    %get3A_4 = arith.constant 0 : index
    %get3A_5 = vector.load %arg2[%get3A_3, %get3A_4] : memref<2x64xf32, #tpu.memory_space<vmem>>, vector<1x64xf32>
    %div3A = arith.constant 5.242880e+05 : f32
    %div3A_6 = vector.broadcast %div3A : f32 to vector<1x64xf32>
    %div3A_7 = arith.divf %get3A_5, %div3A_6 : vector<1x64xf32>
    %get3A_8 = arith.constant 1 : index
    %get3A_9 = arith.constant 0 : index
    %get3A_10 = vector.load %arg2[%get3A_8, %get3A_9] : memref<2x64xf32, #tpu.memory_space<vmem>>, vector<1x64xf32>
    %div3A_11 = arith.constant 5.242880e+05 : f32
    %div3A_12 = vector.broadcast %div3A_11 : f32 to vector<1x64xf32>
    %div3A_13 = arith.divf %get3A_10, %div3A_12 : vector<1x64xf32>
    %mul3A = arith.mulf %div3A_7, %div3A_7 : vector<1x64xf32>
    %sub3A = arith.subf %div3A_13, %mul3A : vector<1x64xf32>
    %get3A_14 = arith.constant 0 : index
    %get3A_15 = arith.constant 0 : index
    %get3A_16 = vector.load %arg3[%get3A_14, %get3A_15] : memref<1x64xf32, #tpu.memory_space<vmem>>, vector<1x64xf32>
    %add3A = arith.constant 9.99999974E-6 : f32
    %add3A_17 = vector.broadcast %add3A : f32 to vector<1x64xf32>
    %add3A_18 = arith.addf %sub3A, %add3A_17 : vector<1x64xf32>
    %sqrt3A = math.sqrt %add3A_18 : vector<1x64xf32>
    %div3A_19 = arith.divf %get3A_16, %sqrt3A : vector<1x64xf32>
    %get3A_20 = arith.constant 0 : index
    %get3A_21 = arith.constant 0 : index
    %get3A_22 = vector.load %arg4[%get3A_20, %get3A_21] : memref<1x64xf32, #tpu.memory_space<vmem>>, vector<1x64xf32>
    %mul3A_23 = arith.mulf %div3A_7, %div3A_19 : vector<1x64xf32>
    %sub3A_24 = arith.subf %get3A_22, %mul3A_23 : vector<1x64xf32>
    %reshape3A = vector.shape_cast %div3A_19 : vector<1x64xf32> to vector<1x1x64xf32>
    %mul3A_25 = vector.broadcast %reshape3A : vector<1x1x64xf32> to vector<128x32x64xf32>
    %mul3A_26 = arith.mulf %get3A_2, %mul3A_25 : vector<128x32x64xf32>
    %reshape3A_27 = vector.shape_cast %sub3A_24 : vector<1x64xf32> to vector<1x1x64xf32>
    %add3A_28 = vector.broadcast %reshape3A_27 : vector<1x1x64xf32> to vector<128x32x64xf32>
    %add3A_29 = arith.addf %mul3A_26, %add3A_28 : vector<128x32x64xf32>
    %max3A = arith.constant 0.000000e+00 : f32
    %max3A_30 = vector.broadcast %max3A : f32 to vector<128x32x64xf32>
    %max3A_31 = arith.maximumf %add3A_29, %max3A_30 : vector<128x32x64xf32>
    %get3A_32 = arith.constant 0 : index
    %get3A_33 = arith.constant 0 : index
    %get3A_34 = vector.load %arg5[%get3A_32, %get3A_33] : memref<64x128xf32, #tpu.memory_space<vmem>>, vector<64x128xf32>
    %dot_general3A = arith.constant dense<0.000000e+00> : vector<128x32x128xf32>
    %dot_general3A_35 = tpu.matmul %max3A_31, %get3A_34, %dot_general3A {dimension_numbers = #tpu.dot_dimension_numbers<[2], [0], [0, 1], [1], [0, 0, 0, 1, 1, 1], [], []>, transpose_lhs_hint = false} : vector<128x32x64xf32>, vector<64x128xf32>, vector<128x32x128xf32> -> vector<128x32x128xf32>
    %get3A_36 = arith.constant 0 : index
    %get3A_37 = arith.constant 0 : index
    %get3A_38 = vector.load %arg6[%get3A_36, %get3A_37] : memref<1x128xf32, #tpu.memory_space<vmem>>, vector<1x128xf32>
    %reshape3A_39 = vector.shape_cast %get3A_38 : vector<1x128xf32> to vector<1x1x128xf32>
    %add3A_40 = vector.broadcast %reshape3A_39 : vector<1x1x128xf32> to vector<128x32x128xf32>
    %add3A_41 = arith.addf %dot_general3A_35, %add3A_40 : vector<128x32x128xf32>
    %reduce_sum3A = arith.constant dense<0.000000e+00> : vector<128xf32>
    %reduce_sum3A_42 = vector.multi_reduction <add>, %add3A_41, %reduce_sum3A [0, 1] : vector<128x32x128xf32> to vector<128xf32>
    %reshape3A_43 = vector.shape_cast %reduce_sum3A_42 : vector<128xf32> to vector<1x128xf32>
    %mul3A_44 = arith.mulf %add3A_41, %add3A_41 : vector<128x32x128xf32>
    %reduce_sum3A_45 = arith.constant dense<0.000000e+00> : vector<128xf32>
    %reduce_sum3A_46 = vector.multi_reduction <add>, %mul3A_44, %reduce_sum3A_45 [0, 1] : vector<128x32x128xf32> to vector<128xf32>
    %reshape3A_47 = vector.shape_cast %reduce_sum3A_46 : vector<128xf32> to vector<1x128xf32>
    %concatenate3A = tpu.concatenate %reshape3A_43, %reshape3A_47 in 0 : vector<1x128xf32>, vector<1x128xf32> -> vector<2x128xf32>
    %eq3A = arith.constant 0 : i32
    %eq3A_48 = arith.cmpi eq, %arg0, %eq3A : i32
    %convert_element_type3A = arith.extui %eq3A_48 : i1 to i32
    %cond3A = arith.constant 0 : i32
    %cond3A_49 = arith.cmpi ne, %convert_element_type3A, %cond3A : i32
    scf.if %cond3A_49 {
      %swap3A = arith.constant 0 : index
      %swap3A_54 = arith.constant 0 : index
      %swap3A_55 = vector.load %arg7[%swap3A, %swap3A_54] : memref<2x128xf32, #tpu.memory_space<vmem>>, vector<2x128xf32>
      tpu.vector_store %arg7[%swap3A, %swap3A_54], %concatenate3A {strides = array<i32>} : memref<2x128xf32, #tpu.memory_space<vmem>>, vector<2x128xf32>,
    } else {
    }
    %gt3A = arith.constant 0 : i32
    %gt3A_50 = arith.cmpi sgt, %arg0, %gt3A : i32
    %convert_element_type3A_51 = arith.extui %gt3A_50 : i1 to i32
    %cond3A_52 = arith.constant 0 : i32
    %cond3A_53 = arith.cmpi ne, %convert_element_type3A_51, %cond3A_52 : i32
    scf.if %cond3A_53 {
      %get3A_54 = arith.constant 0 : index
      %get3A_55 = arith.constant 0 : index
      %get3A_56 = vector.load %arg7[%get3A_54, %get3A_55] : memref<2x128xf32, #tpu.memory_space<vmem>>, vector<2x128xf32>
      %add3A_57 = arith.addf %get3A_56, %concatenate3A : vector<2x128xf32>
      %swap3A = arith.constant 0 : index
      %swap3A_58 = arith.constant 0 : index
      %swap3A_59 = vector.load %arg7[%swap3A, %swap3A_58] : memref<2x128xf32, #tpu.memory_space<vmem>>, vector<2x128xf32>
      tpu.vector_store %arg7[%swap3A, %swap3A_58], %add3A_57 {strides = array<i32>} : memref<2x128xf32, #tpu.memory_space<vmem>>, vector<2x128xf32>,
    } else {
    }
    return
  }
  func.func @transform_0(%arg0: i32) -> (i32, i32, i32) {
    %c0_i32 = arith.constant 0 : i32
    %c0_i32_0 = arith.constant 0 : i32
    %c0_i32_1 = arith.constant 0 : i32
    return %arg0, %c0_i32, %c0_i32_0 : i32, i32, i32
  }
  func.func @transform_1(%arg0: i32) -> (i32, i32) {
    %c0_i32 = arith.constant 0 : i32
    %c0_i32_0 = arith.constant 0 : i32
    %c0_i32_1 = arith.constant 0 : i32
    return %c0_i32, %c0_i32_0 : i32, i32
  }
  func.func @transform_2(%arg0: i32) -> (i32, i32) {
    %c0_i32 = arith.constant 0 : i32
    %c0_i32_0 = arith.constant 0 : i32
    %c0_i32_1 = arith.constant 0 : i32
    return %c0_i32, %c0_i32_0 : i32, i32
  }
  func.func @transform_3(%arg0: i32) -> (i32, i32) {
    %c0_i32 = arith.constant 0 : i32
    %c0_i32_0 = arith.constant 0 : i32
    %c0_i32_1 = arith.constant 0 : i32
    return %c0_i32, %c0_i32_0 : i32, i32
  }
  func.func @transform_4(%arg0: i32) -> (i32, i32) {
    %c0_i32 = arith.constant 0 : i32
    %c0_i32_0 = arith.constant 0 : i32
    %c0_i32_1 = arith.constant 0 : i32
    return %c0_i32, %c0_i32_0 : i32, i32
  }
  func.func @transform_5(%arg0: i32) -> (i32, i32) {
    %c0_i32 = arith.constant 0 : i32
    %c0_i32_0 = arith.constant 0 : i32
    %c0_i32_1 = arith.constant 0 : i32
    return %c0_i32, %c0_i32_0 : i32, i32
  }
  func.func @transform_6(%arg0: i32) -> (i32, i32) {
    %c0_i32 = arith.constant 0 : i32
    %c0_i32_0 = arith.constant 0 : i32
    %c0_i32_1 = arith.constant 0 : i32
    return %c0_i32, %c0_i32_0 : i32, i32
  }
}

module attributes {stable_mosaic.version = 14 : i64} {
  func.func @_passB_body(%arg0: i32, %arg1: memref<128x32x64xf32, #tpu.memory_space<vmem>>, %arg2: memref<2x64xf32, #tpu.memory_space<vmem>>, %arg3: memref<1x64xf32, #tpu.memory_space<vmem>>, %arg4: memref<1x64xf32, #tpu.memory_space<vmem>>, %arg5: memref<64x64xf32, #tpu.memory_space<vmem>>, %arg6: memref<1x64xf32, #tpu.memory_space<vmem>>, %arg7: memref<128x32x64xf32, #tpu.memory_space<vmem>>, %arg8: memref<2x64xf32, #tpu.memory_space<vmem>>) attributes {dimension_semantics = [#tpu.dimension_semantics<arbitrary>], iteration_bounds = array<i64: 128>, scalar_prefetch = 0 : i64, scratch_operands = 0 : i64, tpu.core_type = #tpu.core_type<tc>, window_params = [{transform_indices = @transform_0, window_bounds = array<i64: 128, 32, 64>}, {pipeline_mode = #tpu.pipeline_mode<synchronous>, transform_indices = @transform_1, window_bounds = array<i64: 2, 64>}, {pipeline_mode = #tpu.pipeline_mode<synchronous>, transform_indices = @transform_2, window_bounds = array<i64: 1, 64>}, {pipeline_mode = #tpu.pipeline_mode<synchronous>, transform_indices = @transform_3, window_bounds = array<i64: 1, 64>}, {pipeline_mode = #tpu.pipeline_mode<synchronous>, transform_indices = @transform_4, window_bounds = array<i64: 64, 64>}, {pipeline_mode = #tpu.pipeline_mode<synchronous>, transform_indices = @transform_5, window_bounds = array<i64: 1, 64>}, {transform_indices = @transform_6, window_bounds = array<i64: 128, 32, 64>}, {pipeline_mode = #tpu.pipeline_mode<synchronous>, transform_indices = @transform_7, window_bounds = array<i64: 2, 64>}]} {
    %get3A = arith.constant 0 : index
    %get3A_0 = arith.constant 0 : index
    %get3A_1 = arith.constant 0 : index
    %get3A_2 = vector.load %arg1[%get3A, %get3A_0, %get3A_1] : memref<128x32x64xf32, #tpu.memory_space<vmem>>, vector<128x32x64xf32>
    %get3A_3 = arith.constant 0 : index
    %get3A_4 = arith.constant 0 : index
    %get3A_5 = vector.load %arg2[%get3A_3, %get3A_4] : memref<2x64xf32, #tpu.memory_space<vmem>>, vector<1x64xf32>
    %div3A = arith.constant 5.242880e+05 : f32
    %div3A_6 = vector.broadcast %div3A : f32 to vector<1x64xf32>
    %div3A_7 = arith.divf %get3A_5, %div3A_6 : vector<1x64xf32>
    %get3A_8 = arith.constant 1 : index
    %get3A_9 = arith.constant 0 : index
    %get3A_10 = vector.load %arg2[%get3A_8, %get3A_9] : memref<2x64xf32, #tpu.memory_space<vmem>>, vector<1x64xf32>
    %div3A_11 = arith.constant 5.242880e+05 : f32
    %div3A_12 = vector.broadcast %div3A_11 : f32 to vector<1x64xf32>
    %div3A_13 = arith.divf %get3A_10, %div3A_12 : vector<1x64xf32>
    %mul3A = arith.mulf %div3A_7, %div3A_7 : vector<1x64xf32>
    %sub3A = arith.subf %div3A_13, %mul3A : vector<1x64xf32>
    %get3A_14 = arith.constant 0 : index
    %get3A_15 = arith.constant 0 : index
    %get3A_16 = vector.load %arg3[%get3A_14, %get3A_15] : memref<1x64xf32, #tpu.memory_space<vmem>>, vector<1x64xf32>
    %add3A = arith.constant 9.99999974E-6 : f32
    %add3A_17 = vector.broadcast %add3A : f32 to vector<1x64xf32>
    %add3A_18 = arith.addf %sub3A, %add3A_17 : vector<1x64xf32>
    %sqrt3A = math.sqrt %add3A_18 : vector<1x64xf32>
    %div3A_19 = arith.divf %get3A_16, %sqrt3A : vector<1x64xf32>
    %get3A_20 = arith.constant 0 : index
    %get3A_21 = arith.constant 0 : index
    %get3A_22 = vector.load %arg4[%get3A_20, %get3A_21] : memref<1x64xf32, #tpu.memory_space<vmem>>, vector<1x64xf32>
    %mul3A_23 = arith.mulf %div3A_7, %div3A_19 : vector<1x64xf32>
    %sub3A_24 = arith.subf %get3A_22, %mul3A_23 : vector<1x64xf32>
    %reshape3A = vector.shape_cast %div3A_19 : vector<1x64xf32> to vector<1x1x64xf32>
    %mul3A_25 = vector.broadcast %reshape3A : vector<1x1x64xf32> to vector<128x32x64xf32>
    %mul3A_26 = arith.mulf %get3A_2, %mul3A_25 : vector<128x32x64xf32>
    %reshape3A_27 = vector.shape_cast %sub3A_24 : vector<1x64xf32> to vector<1x1x64xf32>
    %add3A_28 = vector.broadcast %reshape3A_27 : vector<1x1x64xf32> to vector<128x32x64xf32>
    %add3A_29 = arith.addf %mul3A_26, %add3A_28 : vector<128x32x64xf32>
    %max3A = arith.constant 0.000000e+00 : f32
    %max3A_30 = vector.broadcast %max3A : f32 to vector<128x32x64xf32>
    %max3A_31 = arith.maximumf %add3A_29, %max3A_30 : vector<128x32x64xf32>
    %get3A_32 = arith.constant 0 : index
    %get3A_33 = arith.constant 0 : index
    %get3A_34 = vector.load %arg5[%get3A_32, %get3A_33] : memref<64x64xf32, #tpu.memory_space<vmem>>, vector<64x64xf32>
    %dot_general3A = arith.constant dense<0.000000e+00> : vector<128x32x64xf32>
    %dot_general3A_35 = tpu.matmul %max3A_31, %get3A_34, %dot_general3A {dimension_numbers = #tpu.dot_dimension_numbers<[2], [0], [0, 1], [1], [0, 0, 0, 1, 1, 1], [], []>, transpose_lhs_hint = false} : vector<128x32x64xf32>, vector<64x64xf32>, vector<128x32x64xf32> -> vector<128x32x64xf32>
    %get3A_36 = arith.constant 0 : index
    %get3A_37 = arith.constant 0 : index
    %get3A_38 = vector.load %arg6[%get3A_36, %get3A_37] : memref<1x64xf32, #tpu.memory_space<vmem>>, vector<1x64xf32>
    %reshape3A_39 = vector.shape_cast %get3A_38 : vector<1x64xf32> to vector<1x1x64xf32>
    %add3A_40 = vector.broadcast %reshape3A_39 : vector<1x1x64xf32> to vector<128x32x64xf32>
    %add3A_41 = arith.addf %dot_general3A_35, %add3A_40 : vector<128x32x64xf32>
    %swap3A = arith.constant 0 : index
    %swap3A_42 = arith.constant 0 : index
    %swap3A_43 = arith.constant 0 : index
    %swap3A_44 = vector.load %arg7[%swap3A, %swap3A_42, %swap3A_43] : memref<128x32x64xf32, #tpu.memory_space<vmem>>, vector<128x32x64xf32>
    tpu.vector_store %arg7[%swap3A, %swap3A_42, %swap3A_43], %add3A_41 {strides = array<i32>} : memref<128x32x64xf32, #tpu.memory_space<vmem>>, vector<128x32x64xf32>,
    %reduce_sum3A = arith.constant dense<0.000000e+00> : vector<64xf32>
    %reduce_sum3A_45 = vector.multi_reduction <add>, %add3A_41, %reduce_sum3A [0, 1] : vector<128x32x64xf32> to vector<64xf32>
    %reshape3A_46 = vector.shape_cast %reduce_sum3A_45 : vector<64xf32> to vector<1x64xf32>
    %mul3A_47 = arith.mulf %add3A_41, %add3A_41 : vector<128x32x64xf32>
    %reduce_sum3A_48 = arith.constant dense<0.000000e+00> : vector<64xf32>
    %reduce_sum3A_49 = vector.multi_reduction <add>, %mul3A_47, %reduce_sum3A_48 [0, 1] : vector<128x32x64xf32> to vector<64xf32>
    %reshape3A_50 = vector.shape_cast %reduce_sum3A_49 : vector<64xf32> to vector<1x64xf32>
    %concatenate3A = tpu.concatenate %reshape3A_46, %reshape3A_50 in 0 : vector<1x64xf32>, vector<1x64xf32> -> vector<2x64xf32>
    %eq3A = arith.constant 0 : i32
    %eq3A_51 = arith.cmpi eq, %arg0, %eq3A : i32
    %convert_element_type3A = arith.extui %eq3A_51 : i1 to i32
    %cond3A = arith.constant 0 : i32
    %cond3A_52 = arith.cmpi ne, %convert_element_type3A, %cond3A : i32
    scf.if %cond3A_52 {
      %swap3A_57 = arith.constant 0 : index
      %swap3A_58 = arith.constant 0 : index
      %swap3A_59 = vector.load %arg8[%swap3A_57, %swap3A_58] : memref<2x64xf32, #tpu.memory_space<vmem>>, vector<2x64xf32>
      tpu.vector_store %arg8[%swap3A_57, %swap3A_58], %concatenate3A {strides = array<i32>} : memref<2x64xf32, #tpu.memory_space<vmem>>, vector<2x64xf32>,
    } else {
    }
    %gt3A = arith.constant 0 : i32
    %gt3A_53 = arith.cmpi sgt, %arg0, %gt3A : i32
    %convert_element_type3A_54 = arith.extui %gt3A_53 : i1 to i32
    %cond3A_55 = arith.constant 0 : i32
    %cond3A_56 = arith.cmpi ne, %convert_element_type3A_54, %cond3A_55 : i32
    scf.if %cond3A_56 {
      %get3A_57 = arith.constant 0 : index
      %get3A_58 = arith.constant 0 : index
      %get3A_59 = vector.load %arg8[%get3A_57, %get3A_58] : memref<2x64xf32, #tpu.memory_space<vmem>>, vector<2x64xf32>
      %add3A_60 = arith.addf %get3A_59, %concatenate3A : vector<2x64xf32>
      %swap3A_61 = arith.constant 0 : index
      %swap3A_62 = arith.constant 0 : index
      %swap3A_63 = vector.load %arg8[%swap3A_61, %swap3A_62] : memref<2x64xf32, #tpu.memory_space<vmem>>, vector<2x64xf32>
      tpu.vector_store %arg8[%swap3A_61, %swap3A_62], %add3A_60 {strides = array<i32>} : memref<2x64xf32, #tpu.memory_space<vmem>>, vector<2x64xf32>,
    } else {
    }
    return
  }
  func.func @transform_0(%arg0: i32) -> (i32, i32, i32) {
    %c0_i32 = arith.constant 0 : i32
    %c0_i32_0 = arith.constant 0 : i32
    %c0_i32_1 = arith.constant 0 : i32
    return %arg0, %c0_i32, %c0_i32_0 : i32, i32, i32
  }
  func.func @transform_1(%arg0: i32) -> (i32, i32) {
    %c0_i32 = arith.constant 0 : i32
    %c0_i32_0 = arith.constant 0 : i32
    %c0_i32_1 = arith.constant 0 : i32
    return %c0_i32, %c0_i32_0 : i32, i32
  }
  func.func @transform_2(%arg0: i32) -> (i32, i32) {
    %c0_i32 = arith.constant 0 : i32
    %c0_i32_0 = arith.constant 0 : i32
    %c0_i32_1 = arith.constant 0 : i32
    return %c0_i32, %c0_i32_0 : i32, i32
  }
  func.func @transform_3(%arg0: i32) -> (i32, i32) {
    %c0_i32 = arith.constant 0 : i32
    %c0_i32_0 = arith.constant 0 : i32
    %c0_i32_1 = arith.constant 0 : i32
    return %c0_i32, %c0_i32_0 : i32, i32
  }
  func.func @transform_4(%arg0: i32) -> (i32, i32) {
    %c0_i32 = arith.constant 0 : i32
    %c0_i32_0 = arith.constant 0 : i32
    %c0_i32_1 = arith.constant 0 : i32
    return %c0_i32, %c0_i32_0 : i32, i32
  }
  func.func @transform_5(%arg0: i32) -> (i32, i32) {
    %c0_i32 = arith.constant 0 : i32
    %c0_i32_0 = arith.constant 0 : i32
    %c0_i32_1 = arith.constant 0 : i32
    return %c0_i32, %c0_i32_0 : i32, i32
  }
  func.func @transform_6(%arg0: i32) -> (i32, i32, i32) {
    %c0_i32 = arith.constant 0 : i32
    %c0_i32_0 = arith.constant 0 : i32
    %c0_i32_1 = arith.constant 0 : i32
    return %arg0, %c0_i32, %c0_i32_0 : i32, i32, i32
  }
  func.func @transform_7(%arg0: i32) -> (i32, i32) {
    %c0_i32 = arith.constant 0 : i32
    %c0_i32_0 = arith.constant 0 : i32
    %c0_i32_1 = arith.constant 0 : i32
    return %c0_i32, %c0_i32_0 : i32, i32
  }
}

module attributes {stable_mosaic.version = 14 : i64} {
  func.func @_passD_body(%arg0: i32, %arg1: memref<128x32x64xf32, #tpu.memory_space<vmem>>, %arg2: memref<2x64xf32, #tpu.memory_space<vmem>>, %arg3: memref<1x64xf32, #tpu.memory_space<vmem>>, %arg4: memref<1x64xf32, #tpu.memory_space<vmem>>, %arg5: memref<64x128xf32, #tpu.memory_space<vmem>>, %arg6: memref<1x128xf32, #tpu.memory_space<vmem>>, %arg7: memref<2x128xf32, #tpu.memory_space<vmem>>, %arg8: memref<1x128xf32, #tpu.memory_space<vmem>>, %arg9: memref<1x128xf32, #tpu.memory_space<vmem>>, %arg10: memref<128x128xf32, #tpu.memory_space<vmem>>) attributes {dimension_semantics = [#tpu.dimension_semantics<arbitrary>], iteration_bounds = array<i64: 128>, scalar_prefetch = 0 : i64, scratch_operands = 0 : i64, tpu.core_type = #tpu.core_type<tc>, window_params = [{transform_indices = @transform_0, window_bounds = array<i64: 128, 32, 64>}, {pipeline_mode = #tpu.pipeline_mode<synchronous>, transform_indices = @transform_1, window_bounds = array<i64: 2, 64>}, {pipeline_mode = #tpu.pipeline_mode<synchronous>, transform_indices = @transform_2, window_bounds = array<i64: 1, 64>}, {pipeline_mode = #tpu.pipeline_mode<synchronous>, transform_indices = @transform_3, window_bounds = array<i64: 1, 64>}, {pipeline_mode = #tpu.pipeline_mode<synchronous>, transform_indices = @transform_4, window_bounds = array<i64: 64, 128>}, {pipeline_mode = #tpu.pipeline_mode<synchronous>, transform_indices = @transform_5, window_bounds = array<i64: 1, 128>}, {pipeline_mode = #tpu.pipeline_mode<synchronous>, transform_indices = @transform_6, window_bounds = array<i64: 2, 128>}, {pipeline_mode = #tpu.pipeline_mode<synchronous>, transform_indices = @transform_7, window_bounds = array<i64: 1, 128>}, {pipeline_mode = #tpu.pipeline_mode<synchronous>, transform_indices = @transform_8, window_bounds = array<i64: 1, 128>}, {transform_indices = @transform_9, window_bounds = array<i64: 128, 128>}]} {
    %get3A = arith.constant 0 : index
    %get3A_0 = arith.constant 0 : index
    %get3A_1 = arith.constant 0 : index
    %get3A_2 = vector.load %arg1[%get3A, %get3A_0, %get3A_1] : memref<128x32x64xf32, #tpu.memory_space<vmem>>, vector<128x32x64xf32>
    %get3A_3 = arith.constant 0 : index
    %get3A_4 = arith.constant 0 : index
    %get3A_5 = vector.load %arg2[%get3A_3, %get3A_4] : memref<2x64xf32, #tpu.memory_space<vmem>>, vector<1x64xf32>
    %div3A = arith.constant 5.242880e+05 : f32
    %div3A_6 = vector.broadcast %div3A : f32 to vector<1x64xf32>
    %div3A_7 = arith.divf %get3A_5, %div3A_6 : vector<1x64xf32>
    %get3A_8 = arith.constant 1 : index
    %get3A_9 = arith.constant 0 : index
    %get3A_10 = vector.load %arg2[%get3A_8, %get3A_9] : memref<2x64xf32, #tpu.memory_space<vmem>>, vector<1x64xf32>
    %div3A_11 = arith.constant 5.242880e+05 : f32
    %div3A_12 = vector.broadcast %div3A_11 : f32 to vector<1x64xf32>
    %div3A_13 = arith.divf %get3A_10, %div3A_12 : vector<1x64xf32>
    %mul3A = arith.mulf %div3A_7, %div3A_7 : vector<1x64xf32>
    %sub3A = arith.subf %div3A_13, %mul3A : vector<1x64xf32>
    %get3A_14 = arith.constant 0 : index
    %get3A_15 = arith.constant 0 : index
    %get3A_16 = vector.load %arg3[%get3A_14, %get3A_15] : memref<1x64xf32, #tpu.memory_space<vmem>>, vector<1x64xf32>
    %add3A = arith.constant 9.99999974E-6 : f32
    %add3A_17 = vector.broadcast %add3A : f32 to vector<1x64xf32>
    %add3A_18 = arith.addf %sub3A, %add3A_17 : vector<1x64xf32>
    %sqrt3A = math.sqrt %add3A_18 : vector<1x64xf32>
    %div3A_19 = arith.divf %get3A_16, %sqrt3A : vector<1x64xf32>
    %get3A_20 = arith.constant 0 : index
    %get3A_21 = arith.constant 0 : index
    %get3A_22 = vector.load %arg4[%get3A_20, %get3A_21] : memref<1x64xf32, #tpu.memory_space<vmem>>, vector<1x64xf32>
    %mul3A_23 = arith.mulf %div3A_7, %div3A_19 : vector<1x64xf32>
    %sub3A_24 = arith.subf %get3A_22, %mul3A_23 : vector<1x64xf32>
    %reshape3A = vector.shape_cast %div3A_19 : vector<1x64xf32> to vector<1x1x64xf32>
    %mul3A_25 = vector.broadcast %reshape3A : vector<1x1x64xf32> to vector<128x32x64xf32>
    %mul3A_26 = arith.mulf %get3A_2, %mul3A_25 : vector<128x32x64xf32>
    %reshape3A_27 = vector.shape_cast %sub3A_24 : vector<1x64xf32> to vector<1x1x64xf32>
    %add3A_28 = vector.broadcast %reshape3A_27 : vector<1x1x64xf32> to vector<128x32x64xf32>
    %add3A_29 = arith.addf %mul3A_26, %add3A_28 : vector<128x32x64xf32>
    %max3A = arith.constant 0.000000e+00 : f32
    %max3A_30 = vector.broadcast %max3A : f32 to vector<128x32x64xf32>
    %max3A_31 = arith.maximumf %add3A_29, %max3A_30 : vector<128x32x64xf32>
    %get3A_32 = arith.constant 0 : index
    %get3A_33 = arith.constant 0 : index
    %get3A_34 = vector.load %arg5[%get3A_32, %get3A_33] : memref<64x128xf32, #tpu.memory_space<vmem>>, vector<64x128xf32>
    %dot_general3A = arith.constant dense<0.000000e+00> : vector<128x32x128xf32>
    %dot_general3A_35 = tpu.matmul %max3A_31, %get3A_34, %dot_general3A {dimension_numbers = #tpu.dot_dimension_numbers<[2], [0], [0, 1], [1], [0, 0, 0, 1, 1, 1], [], []>, transpose_lhs_hint = false} : vector<128x32x64xf32>, vector<64x128xf32>, vector<128x32x128xf32> -> vector<128x32x128xf32>
    %get3A_36 = arith.constant 0 : index
    %get3A_37 = arith.constant 0 : index
    %get3A_38 = vector.load %arg6[%get3A_36, %get3A_37] : memref<1x128xf32, #tpu.memory_space<vmem>>, vector<1x128xf32>
    %reshape3A_39 = vector.shape_cast %get3A_38 : vector<1x128xf32> to vector<1x1x128xf32>
    %add3A_40 = vector.broadcast %reshape3A_39 : vector<1x1x128xf32> to vector<128x32x128xf32>
    %add3A_41 = arith.addf %dot_general3A_35, %add3A_40 : vector<128x32x128xf32>
    %get3A_42 = arith.constant 0 : index
    %get3A_43 = arith.constant 0 : index
    %get3A_44 = vector.load %arg7[%get3A_42, %get3A_43] : memref<2x128xf32, #tpu.memory_space<vmem>>, vector<1x128xf32>
    %div3A_45 = arith.constant 5.242880e+05 : f32
    %div3A_46 = vector.broadcast %div3A_45 : f32 to vector<1x128xf32>
    %div3A_47 = arith.divf %get3A_44, %div3A_46 : vector<1x128xf32>
    %get3A_48 = arith.constant 1 : index
    %get3A_49 = arith.constant 0 : index
    %get3A_50 = vector.load %arg7[%get3A_48, %get3A_49] : memref<2x128xf32, #tpu.memory_space<vmem>>, vector<1x128xf32>
    %div3A_51 = arith.constant 5.242880e+05 : f32
    %div3A_52 = vector.broadcast %div3A_51 : f32 to vector<1x128xf32>
    %div3A_53 = arith.divf %get3A_50, %div3A_52 : vector<1x128xf32>
    %mul3A_54 = arith.mulf %div3A_47, %div3A_47 : vector<1x128xf32>
    %sub3A_55 = arith.subf %div3A_53, %mul3A_54 : vector<1x128xf32>
    %get3A_56 = arith.constant 0 : index
    %get3A_57 = arith.constant 0 : index
    %get3A_58 = vector.load %arg8[%get3A_56, %get3A_57] : memref<1x128xf32, #tpu.memory_space<vmem>>, vector<1x128xf32>
    %add3A_59 = arith.constant 9.99999974E-6 : f32
    %add3A_60 = vector.broadcast %add3A_59 : f32 to vector<1x128xf32>
    %add3A_61 = arith.addf %sub3A_55, %add3A_60 : vector<1x128xf32>
    %sqrt3A_62 = math.sqrt %add3A_61 : vector<1x128xf32>
    %div3A_63 = arith.divf %get3A_58, %sqrt3A_62 : vector<1x128xf32>
    %get3A_64 = arith.constant 0 : index
    %get3A_65 = arith.constant 0 : index
    %get3A_66 = vector.load %arg9[%get3A_64, %get3A_65] : memref<1x128xf32, #tpu.memory_space<vmem>>, vector<1x128xf32>
    %mul3A_67 = arith.mulf %div3A_47, %div3A_63 : vector<1x128xf32>
    %sub3A_68 = arith.subf %get3A_66, %mul3A_67 : vector<1x128xf32>
    %reshape3A_69 = vector.shape_cast %div3A_63 : vector<1x128xf32> to vector<1x1x128xf32>
    %mul3A_70 = vector.broadcast %reshape3A_69 : vector<1x1x128xf32> to vector<128x32x128xf32>
    %mul3A_71 = arith.mulf %add3A_41, %mul3A_70 : vector<128x32x128xf32>
    %reshape3A_72 = vector.shape_cast %sub3A_68 : vector<1x128xf32> to vector<1x1x128xf32>
    %add3A_73 = vector.broadcast %reshape3A_72 : vector<1x1x128xf32> to vector<128x32x128xf32>
    %add3A_74 = arith.addf %mul3A_71, %add3A_73 : vector<128x32x128xf32>
    %max3A_75 = arith.constant 0.000000e+00 : f32
    %max3A_76 = vector.broadcast %max3A_75 : f32 to vector<128x32x128xf32>
    %max3A_77 = arith.maximumf %add3A_74, %max3A_76 : vector<128x32x128xf32>
    %reduce_max3A = arith.constant dense<0xFF800000> : vector<128x128xf32>
    %reduce_max3A_78 = vector.multi_reduction <maximumf>, %max3A_77, %reduce_max3A [1] : vector<128x32x128xf32> to vector<128x128xf32>
    %swap3A = arith.constant 0 : index
    %swap3A_79 = arith.constant 0 : index
    %swap3A_80 = vector.load %arg10[%swap3A, %swap3A_79] : memref<128x128xf32, #tpu.memory_space<vmem>>, vector<128x128xf32>
    tpu.vector_store %arg10[%swap3A, %swap3A_79], %reduce_max3A_78 {strides = array<i32>} : memref<128x128xf32, #tpu.memory_space<vmem>>, vector<128x128xf32>,
    return
  }
  func.func @transform_0(%arg0: i32) -> (i32, i32, i32) {
    %c0_i32 = arith.constant 0 : i32
    %c0_i32_0 = arith.constant 0 : i32
    %c0_i32_1 = arith.constant 0 : i32
    return %arg0, %c0_i32, %c0_i32_0 : i32, i32, i32
  }
  func.func @transform_1(%arg0: i32) -> (i32, i32) {
    %c0_i32 = arith.constant 0 : i32
    %c0_i32_0 = arith.constant 0 : i32
    %c0_i32_1 = arith.constant 0 : i32
    return %c0_i32, %c0_i32_0 : i32, i32
  }
  func.func @transform_2(%arg0: i32) -> (i32, i32) {
    %c0_i32 = arith.constant 0 : i32
    %c0_i32_0 = arith.constant 0 : i32
    %c0_i32_1 = arith.constant 0 : i32
    return %c0_i32, %c0_i32_0 : i32, i32
  }
  func.func @transform_3(%arg0: i32) -> (i32, i32) {
    %c0_i32 = arith.constant 0 : i32
    %c0_i32_0 = arith.constant 0 : i32
    %c0_i32_1 = arith.constant 0 : i32
    return %c0_i32, %c0_i32_0 : i32, i32
  }
  func.func @transform_4(%arg0: i32) -> (i32, i32) {
    %c0_i32 = arith.constant 0 : i32
    %c0_i32_0 = arith.constant 0 : i32
    %c0_i32_1 = arith.constant 0 : i32
    return %c0_i32, %c0_i32_0 : i32, i32
  }
  func.func @transform_5(%arg0: i32) -> (i32, i32) {
    %c0_i32 = arith.constant 0 : i32
    %c0_i32_0 = arith.constant 0 : i32
    %c0_i32_1 = arith.constant 0 : i32
    return %c0_i32, %c0_i32_0 : i32, i32
  }
  func.func @transform_6(%arg0: i32) -> (i32, i32) {
    %c0_i32 = arith.constant 0 : i32
    %c0_i32_0 = arith.constant 0 : i32
    %c0_i32_1 = arith.constant 0 : i32
    return %c0_i32, %c0_i32_0 : i32, i32
  }
  func.func @transform_7(%arg0: i32) -> (i32, i32) {
    %c0_i32 = arith.constant 0 : i32
    %c0_i32_0 = arith.constant 0 : i32
    %c0_i32_1 = arith.constant 0 : i32
    return %c0_i32, %c0_i32_0 : i32, i32
  }
  func.func @transform_8(%arg0: i32) -> (i32, i32) {
    %c0_i32 = arith.constant 0 : i32
    %c0_i32_0 = arith.constant 0 : i32
    %c0_i32_1 = arith.constant 0 : i32
    return %c0_i32, %c0_i32_0 : i32, i32
  }
  func.func @transform_9(%arg0: i32) -> (i32, i32) {
    %c0_i32 = arith.constant 0 : i32
    %c0_i32_0 = arith.constant 0 : i32
    return %arg0, %c0_i32 : i32, i32
  }
}

</mosaic_0001>

<sc_bundles>
// kernel: kernel.9.cloned.1.call-start
scs
__scs_entry_jumppad:
0x0: {  	(pc) =	sbr.rel $0x88, $3  }
0x1: {  	(tag) =	ssettag $0x0;
	lr =	simm.s32 $0x1  }
0x2: {  	[smem:$0x3F93] =	sst lr;
	_ =	strace $0xD0000000  }
0x3: {  	_ = 	snop  }
0x4: {  	_ = 	snop  }
0x5: {  	_ = 	snop  }
0x6: {  	_ = 	snop  }
0x7: {  	_ = 	snop  }
__scs_overlays_trampoline_lowered:
0x8: {  	[smem:$0x3FA2] =	sst s0  }
0x9: {  	[smem:$0x3FA3] =	sst s1  }
0xa: {  	[smem:$0x3FA4] =	sst s2  }
0xb: {  	[smem:$0x3FA5] =	sst s3  }
0xc: {  	[smem:$0x3FA6] =	sst s4  }
0xd: {  	[smem:$0x3FA7] =	sst s5  }
0xe: {  	[smem:$0x3FA8] =	sst s6  }
0xf: {  	[smem:$0x3FA9] =	sst s7  }
0x10: {  	[smem:$0x3FAA] =	sst s8  }
0x11: {  	[smem:$0x3FAB] =	sst s9;
	s0 =	simm.s32 @!p0 $0x0  }
0x12: {  	s1 =	sld [smem:$0x3F91];
	s0 =	simm.s32 @p0 $0x1  }
0x13: {  	[smem:$0x3FAC] =	sst s0;
	s0 =	simm.s32 @!p1 $0x0  }
0x14: {  	s2 =	sld [smem:$0x3F90];
	s0 =	simm.s32 @p1 $0x1  }
0x15: {  	[smem:$0x3FAD] =	sst s0;
	s0 =	simm.s32 @!p2 $0x0  }
0x16: {  	s3 =	sld [smem:$0x3FDB];
	s0 =	simm.s32 @p2 $0x1  }
0x17: {  	s4 =	simm.s32 $0x1BF5;
	[smem:$0x3FAF] =	sst s0  }
0x18: {  	s0 =	sld [smem:$0x3F92];
	_ =	swait.ge [sflag:s4], $0x0  }
0x19: {  	s7 =	sld [smem:$0x3F93]  }
0x1a: {  	s8 =	sadd.s32 $0xFFFFE003, lr  }
0x1b: {  	s9 =	sadd.s32 $0xFFFFFEF7, lr;
	s5 =	simm.s32 $0xFFFFFFFF;
	p2 =	slt.u32 s8, $0xFFFFF086  }
0x1c: {  	p1 =	slt.u32 s9, $0xF7A;
	s5 =	simm.s32 @!p2 $0x0  }
0x1d: {  	s5 =	simm.s32 @p1 $0x1;
	p0 =	seq.s32 s7, s2  }
0x1e: {  	s7 =	smul.u32 @!p0 $0xF7A, s2;
	p2 =	seq.s32 @!p0 s5, $0x0  }
0x1f: {  	s9 =	smul.u32 $0xF7A, s1;
	s8 =	simm.s32 @!p0 $0x1BF5;
	p2 =	por !p2, p0  }
0x20: {  	[sflag:s8] =	ssyncset.s32 @!p0 $0xFFFFF086;
	s6 =	sadd.s32 @!p0 s3, s7;
	s7 =	simm.s32 @!p0 $0x108  }
0x21: {  	s3 =	sadd.s32 s3, s9;
	s6 =	sadd.s32 @!p0 $0x88, s6;
	s7 =	simm.s32 @p2 $0x1082  }
0x22: {  	[simem:s7], [sflag:s8] =	dma.local @!p0 [hbm:s6], $0xF7A  }
0x23: {  	s9 =	sor.u32 $0xD0000000, s2;
	s6 =	simm.s32 $0x108;
	_ =	swait.ge @!p0 [sflag:s8], $0x0  }
0x24: {  	s3 =	sadd.s32 $0x88, s3;
	s6 =	simm.s32 @!p1 $0x1082;
	[sflag:s4] =	ssyncset.s32 $0xFFFFF086  }
0x25: {  	[simem:s6], [sflag:s4] =	dma.local [hbm:s3], $0xF7A  }
0x26: {  	[smem:$0x3F93] =	sst s1;
	(tag) =	ssettag s2;
	_ =	strace s9  }
0x27: {  	s1 =	sld [smem:$0x3FA3]  }
0x28: {  	s2 =	sld [smem:$0x3FA4]  }
0x29: {  	s4 =	sld [smem:$0x3FA6]  }
0x2a: {  	p0 =	seq.s32 s5, $0x0;
	s5 =	sld [smem:$0x3FA7]  }
0x2b: {  	s6 =	sld [smem:$0x3FA8]  }
0x2c: {  	s7 =	sld [smem:$0x3FA9]  }
0x2d: {  	s3 =	simm.s32 $0x108;
	s8 =	sld [smem:$0x3FAA]  }
0x2e: {  	s3 =	simm.s32 @!p0 $0x1082;
	s9 =	sld [smem:$0x3FAB]  }
0x2f: {  	lr =	sadd.s32 s0, s3;
	s0 =	sld [smem:$0x3FA2]  }
0x30: {  	s3 =	sld [smem:$0x3FA5]  }
0x31: {  	[smem:$0x3FAE] =	sst s10  }
0x32: {  	s10 =	sld [smem:$0x3FAC];
	_ =	sdelay $0x3  }
0x33: {  	p0 =	seq.s32 s10, $0x1;
	s10 =	sld [smem:$0x3FAE];
	_ =	sdelay $0x3  }
0x34: {  	[smem:$0x3FAE] =	sst s10  }
0x35: {  	s10 =	sld [smem:$0x3FAD];
	_ =	sdelay $0x3  }
0x36: {  	p1 =	seq.s32 s10, $0x1;
	s10 =	sld [smem:$0x3FAE];
	_ =	sdelay $0x3  }
0x37: {  	[smem:$0x3FAE] =	sst s10  }
0x38: {  	s10 =	sld [smem:$0x3FAF]  }
0x39: {  	_ = 	snop;
	(pc) =	sbr.ind lr, $3  }
0x3a: {  	_ = 	snop  }
0x3b: {  	_ = 	snop  }
0x3c: {  	p2 =	seq.s32 s10, $0x1;
	s10 =	sld [smem:$0x3FAE]  }
0x3d: {  	_ =	shalt  }
0x3e: {  	_ =	shalt  }
0x3f: {  	_ =	shalt  }
0x40: {  	_ =	shalt  }
0x41: {  	_ =	shalt  }
0x42: {  	_ =	shalt  }
0x43: {  	_ =	shalt  }
0x44: {  	_ =	shalt  }
0x45: {  	_ =	shalt  }
0x46: {  	_ =	shalt  }
0x47: {  	_ =	shalt  }
0x48: {  	_ =	shalt  }
0x49: {  	_ =	shalt  }
0x4a: {  	_ =	shalt  }
0x4b: {  	_ =	shalt  }
0x4c: {  	_ =	shalt  }
0x4d: {  	_ =	shalt  }
0x4e: {  	_ =	shalt  }
0x4f: {  	_ =	shalt  }
0x50: {  	_ =	shalt  }
0x51: {  	_ =	shalt  }
0x52: {  	_ =	shalt  }
0x53: {  	_ =	shalt  }
0x54: {  	_ =	shalt  }
0x55: {  	_ =	shalt  }
0x56: {  	_ =	shalt  }
0x57: {  	_ =	shalt  }
0x58: {  	_ =	shalt  }
0x59: {  	_ =	shalt  }
0x5a: {  	_ =	shalt  }
0x5b: {  	_ =	shalt  }
0x5c: {  	_ =	shalt  }
0x5d: {  	_ =	shalt  }
0x5e: {  	_ =	shalt  }
0x5f: {  	_ =	shalt  }
0x60: {  	_ =	shalt  }
0x61: {  	_ =	shalt  }
0x62: {  	_ =	shalt  }
0x63: {  	_ =	shalt  }
0x64: {  	_ =	shalt  }
0x65: {  	_ =	shalt  }
0x66: {  	_ =	shalt  }
0x67: {  	_ =	shalt  }
0x68: {  	_ =	shalt  }
0x69: {  	_ =	shalt  }
0x6a: {  	_ =	shalt  }
0x6b: {  	_ =	shalt  }
0x6c: {  	_ =	shalt  }
0x6d: {  	_ =	shalt  }
0x6e: {  	_ =	shalt  }
0x6f: {  	_ =	shalt  }
0x70: {  	_ =	shalt  }
0x71: {  	_ =	shalt  }
0x72: {  	_ =	shalt  }
0x73: {  	_ =	shalt  }
0x74: {  	_ =	shalt  }
0x75: {  	_ =	shalt  }
0x76: {  	_ =	shalt  }
0x77: {  	_ =	shalt  }
0x78: {  	_ =	shalt  }
0x79: {  	_ =	shalt  }
0x7a: {  	_ =	shalt  }
0x7b: {  	_ =	shalt  }
0x7c: {  	_ =	shalt  }
0x7d: {  	_ =	shalt  }
0x7e: {  	_ =	shalt  }
0x7f: {  	_ =	shalt  }
0x80: {  	_ =	shalt  }
0x81: {  	_ =	shalt  }
0x82: {  	_ =	shalt  }
0x83: {  	_ =	shalt  }
0x84: {  	_ =	shalt  }
0x85: {  	_ =	shalt  }
0x86: {  	_ =	shalt  }
0x87: {  	_ =	shalt  }
.Lfunc_end0:
.L_simem_size_0:
called_computation_lowered:
.L_overlay_start_0:
0x88: {  	s2 =	sld [smem:$0x3FD9]  }
0x89: {  	s3 =	sld [smem:$0x3FFE];
	_ =	sdelay $0x1  }
0x8a: {  	s1 =	srdreg.scid  }
0x8b: {  	s0 =	sand.u32 $0x1, s1  }
0x8c: {  	s16 =	sshll.u32 s0, $0xA;
	s2 =	sadd.s32 s3, s2  }
0x8d: {  	s2 =	sadd.s32 s2, s16  }
0x8e: {  	[smem:$0x3FBA] =	sst s2  }
0x8f: {  	_ = 	snop  }
0x90: {  	(tm) =	ssettm $0x1  }
0x91: {  	s17 =	sld [smem:$0x3FFB];
	_ =	sdelay $0x3  }
0x92: {  	_ =	strace s17  }
0x93: {  	s2 =	sld [smem:$0x3FFC];
	_ =	sdelay $0x3  }
0x94: {  	_ =	strace s2  }
0x95: {  	s2 =	sld [smem:$0x3FFD];
	_ =	sdelay $0x3  }
0x96: {  	_ =	strace s2  }
0x97: {  	_ =	strace $0x8FFFFFFF  }
0x98: {  	s18 =	sld [smem:$0x3FDB];
	_ =	sdelay $0x1  }
0x99: {  	s19 =	simm.s32 $_scs_section_size  }
0x9a: {  	s4 =	simm.s32 $_size__tile_overlayer_lowered;
	s5 =	simm.s32 $_tile_overlayer_lowered  }
0x9b: {  	s22 =	simm.s32 $0x1BFF;
	s21 =	sshll.u32 s5, $0x1;
	s2 =	sadd.s32 s19, s18  }
0x9c: {  	s6 =	simm.s32 $0x0;
	s20 =	sshll.u32 s4, $0x1;
	s4 =	sadd.s32 s21, s2  }
0x9d: {  	[timem:s6], [sflag:s22] =	dma.local [hbm:s4], s20  }
0x9e: {  	_ =	swait.ge [sflag:s22], s20  }
0x9f: {  	s3 =	ssub.s32 $0x0, s20;
	[sflag:s22] =	ssyncset.done $0x0  }
0xa0: {  	[sflag:s22] =	ssyncadd.s32 s3;
	_ =	sdelay $0x1  }
0xa1: {  	s23 =	simm.s32 $0x1B8B  }
0xa2: {  	_ =	swait.ge [sflag:s23], $0x1  }
0xa3: {  	[sflag:s23] =	ssyncset.done $0x0  }
0xa4: {  	s25 =	simm.s32 $0x1B8E;
	s24 =	sld [smem:$0x3FFE];
	[sflag:s23] =	ssyncadd.s32 $0xFFFFFFFF  }
0xa5: {  	s26 =	simm.s32 $execute0_lowered;
	[smem:$0x3FD2] =	sst s25  }
0xa6: {  	s4 =	sshll.u32 s26, $0x1;
	_ =	strace $0x80000046;
	[dreg:$0x1] =	wrdreg $0xFFFFFFFF  }
0xa7: {  	s28 =	simm.s32 $_size_execute0_lowered;
	s2 =	sadd.s32 s2, s4;
	[dreg:$0x0] =	wrdreg $0x0  }
0xa8: {  	s4 =	sshll.u32 s28, $0x1;
	[dreg:$0x2] =	wrdreg s2  }
0xa9: {  	[dreg:$0x3] =	wrdreg s4  }
0xaa: {  	[dreg:$0x4] =	wrdreg $0xC0  }
0xab: {  	_ =	task [dreg:s6], $0x5FFFF  }
0xac: {  	[dreg:$0x1] =	wrdreg $0xFFFFFFFF  }
0xad: {  	[dreg:$0x0] =	wrdreg $0x60  }
0xae: {  	[dreg:$0x2] =	wrdreg s24  }
0xaf: {  	[dreg:$0x3] =	wrdreg $0x9  }
0xb0: {  	_ =	task.clear_ibuf [dreg:s6], $0x4FFFF;
	_ =	strace $0x90000046  }
0xb1: {  	s29 =	simm.s32 $0x9;
	_ =	strace $0x80000048  }
0xb2: {  	_ =	swait.ge [sflag:s29], $0x1  }
0xb3: {  	[sflag:s29] =	ssyncadd.s32 $0xFFFFFFFF  }
0xb4: {  	_ =	strace $0x90000048  }
0xb5: {  	_ =	sfence  }
0xb6: {  	s30 =	sld [smem:$0x0];
	_ =	sdelay $0x2  }
0xb7: {  	s31 =	sshll.u32 s1, $0xD;
	s1 =	sshrl.u32 s1, $0x2  }
0xb8: {  	s3 =	sand.u32 $0x4000, s31;
	s1 =	sadd.s32 s1, s30  }
0xb9: {  	s0 =	sor.u32 s3, s0;
	s1 =	sshll.u32 s1, $0x11  }
0xba: {  	s0 =	sor.u32 s1, s0  }
0xbb: {  	s0 =	sadd.s32 $0x8F2B, s0  }
0xbc: {  	[sflag:s0] =	ssyncadd.remote.s32 $0x1  }
0xbd: {  	_ =	sfence.sel $0xFFFF  }
0xbe: {  	[dreg:$0x0] =	wrdreg $0xFFFFFFFF;
	(pc) =	sbr.abs _section_cstart, $3  }
0xbf: {  	[dreg:$0x1] =	wrdreg $0xFFFFFFFF  }
0xc0: {  	_ =	task.clear_ibuf [dreg:s6], $0x2FFFF;
	_ =	strace $0x9FFFFFFF  }
0xc1: {  	(tm) =	ssettm $0x7FFFFFFF  }
tec
execute0_lowered:
.L_overlay_start_1:
0x0: {  	(tag) =	ssettag $0x1  }
0x1: {  	s4 =	rddreg [dreg:$0x0]  }
0x2: {  	s0 =	rddreg [dreg:$0x1];
	s2 =	simm.s32 $0x0;
	s5 =	srdreg.scid  }
0x3: {  	s1 =	stileid.u32;
	s10 =	simm.s32 $0x0;
	[smem:$0x7FF] =	sst s2  }
0x4: {  	s3 =	sadd.s32 $0x112800, s4;
	s5 =	sand.u32 $0x1, s5;
	s6 =	sshll.u32 s1, $0xF  }
0x5: {  	s8 =	smul.u32 $0x50000, s1;
	_ =	strace $0x80000047;
	s7 =	sshll.u32 s5, $0xE  }
0x6: {  	s9 =	ssub.s32 $0x2, s5;
	s5 =	smul.u32 $0x28000, s5;
	s6 =	sor.u32 s7, s6  }
0x7: {  	s30 =	sshrl.u32 s9, $0x1;
	s8 =	sadd.s32 s8, s4;
	s6 =	sshrl.u32 s6, $0x3  }
0x8: {  	s7 =	ssub.s32 s9, s30;
	s31 =	sadd.s32 s5, s8;
	s8 =	simm.s32 $0x80  }
0x9: {  	s9 =	simm.s32 $0x1;
	s6 =	sadd.s32 s6, s4;
	s4 =	smax.u32 s7, $0x1  }
0xa: {  	s7 =	simm.s32 $0x2;
	s5 =	sadd.s32 $0x2800, s6;
	s6 =	sadd.s32 $0x1B2800, s31  }
.LBB2_1:
0xb: {  	s11 =	sadd.s32 $0x0, s5  }
0xc: {  	[tilespmem:s2], [sflag:$0x2] =	stream.linear.gather [hbm4b:s11+s2], $0x80, $0x38;
	[tilespmem:$0x2880] =	vst v63  }
0xd: {  	_ =	swait.ge [sflag:s7], $0x80  }
0xe: {  	[sflag:s7] =	ssyncset.done $0x0  }
0xf: {  	[sflag:s7] =	ssyncadd.s32 $0xFFFFFF80  }
0x10: {  	[tilespmem:s8], [sflag:$0x1] =	stream.indirect.gather [hbm4b:s3+s8], $0x50, s2, s8, $0xb8;
	[tilespmem:$0x2880] =	vst v63  }
0x11: {  	_ =	swait.ge [sflag:s9], $0x2800  }
0x12: {  	[sflag:s9] =	ssyncset.done $0x0  }
0x13: {  	[sflag:s9] =	ssyncadd.s32 $0xFFFFD800  }
0x14: {  	[hbm4b:s6+s2] =	stream.linear.scatter [tilespmem:s8], [sflag:$0x2], $0x2800, $0x38;
	[tilespmem:$0x2880] =	vst v63  }
0x15: {  	s12 =	simm.s32 $0x10;
	_ =	swait.ge [sflag:s7], $0x2800  }
0x16: {  	s13 =	simm.s32 $0x20;
	s11 =	sadd.s32 $0x500, s6;
	[sflag:s7] =	ssyncset.done $0x0  }
.LBB2_2:
0x17: {  	s14 =	sadd.s32 s12, s5  }
0x18: {  	[sflag:s7] =	ssyncadd.s32 $0xFFFFD800;
	s12 =	smov.u32 s13;
	s15 =	sadd.s32 $0x10, s13  }
0x19: {  	[tilespmem:s2], [sflag:$0x2] =	stream.linear.gather [hbm4b:s14+s2], $0x80, $0x38;
	[tilespmem:$0x2880] =	vst v63  }
0x1a: {  	p0 =	sne.s32 s13, $0x7F0;
	_ =	swait.ge [sflag:s7], $0x80  }
0x1b: {  	[sflag:s7] =	ssyncset.done $0x0  }
0x1c: {  	[sflag:s7] =	ssyncadd.s32 $0xFFFFFF80  }
0x1d: {  	[tilespmem:s8], [sflag:$0x1] =	stream.indirect.gather [hbm4b:s3+s8], $0x50, s2, s8, $0xb8;
	[tilespmem:$0x2880] =	vst v63  }
0x1e: {  	_ =	swait.ge [sflag:s9], $0x2800  }
.Ltmp0:
0x1f: {  	[sflag:s9] =	ssyncset.done $0x0;
	(pc) =	sbr.rel @p0 .LBB2_2-.Ltmp0, $4  }
0x20: {  	[sflag:s9] =	ssyncadd.s32 $0xFFFFD800  }
0x21: {  	[hbm4b:s11+s2] =	stream.linear.scatter [tilespmem:s8], [sflag:$0x2], $0x2800, $0x38;
	[tilespmem:$0x2880] =	vst v63  }
0x22: {  	_ =	swait.ge [sflag:s7], $0x2800  }
0x23: {  	s13 =	smov.u32 s15;
	s11 =	sadd.s32 $0x500, s11;
	[sflag:s7] =	ssyncset.done $0x0  }
0x24: {  	s12 =	sadd.s32 s12, s5;
	[sflag:s7] =	ssyncadd.s32 $0xFFFFD800  }
0x25: {  	[tilespmem:s2], [sflag:$0x2] =	stream.linear.gather [hbm4b:s12+s2], $0x80, $0x38;
	[tilespmem:$0x2880] =	vst v63  }
0x26: {  	_ =	swait.ge [sflag:s7], $0x80  }
0x27: {  	[sflag:s7] =	ssyncset.done $0x0  }
0x28: {  	[sflag:s7] =	ssyncadd.s32 $0xFFFFFF80  }
0x29: {  	[tilespmem:s8], [sflag:$0x1] =	stream.indirect.gather [hbm4b:s3+s8], $0x50, s2, s8, $0xb8;
	[tilespmem:$0x2880] =	vst v63  }
0x2a: {  	s10 =	sadd.s32 $0x1, s10;
	_ =	swait.ge [sflag:s9], $0x2800  }
0x2b: {  	p0 =	sne.s32 s10, s4;
	[sflag:s9] =	ssyncset.done $0x0  }
.Ltmp1:
0x2c: {  	[sflag:s9] =	ssyncadd.s32 $0xFFFFD800;
	(pc) =	sbr.rel @p0 .LBB2_1-.Ltmp1, $4  }
0x2d: {  	[hbm4b:s11+s2] =	stream.linear.scatter [tilespmem:s8], [sflag:$0x2], $0x2800, $0x38;
	[tilespmem:$0x2880] =	vst v63  }
0x2e: {  	_ =	swait.ge [sflag:s7], $0x2800  }
0x2f: {  	[sflag:s7] =	ssyncset.done $0x0  }
0x30: {  	[sflag:s7] =	ssyncadd.s32 $0xFFFFD800  }
0x31: {  	_ =	sfence.sel $0x180000  }
0x32: {  	[bflag:$0x0] =	sbarrier.arrive $0xFFFF  }
0x33: {  	p0 =	sne.s32 s1, $0x0;
	_ =	strace $0x90000047  }
0x34: {  	s0 =	sadd.s32 @!p0 $0x100000, s0;
	[bflag:$0x2] =	sbarrier.arrive $0xFFFF  }
0x35: {  	[sflag:s0] =	ssyncadd.tile.s32 @!p0 $0x1;
	_ =	shalt  }
.Lfunc_end2:
_tile_overlayer_lowered:
.L_overlay_start_2:
0x36: {  	(tag) =	ssettag $0x2  }
0x37: {  	s0 =	rddreg [dreg:$0x0];
	s2 =	stileid.u32  }
0x38: {  	s1 =	rddreg [dreg:$0x1];
	p0 =	sne.s32 s2, $0x0  }
0x39: {  	s3 =	rddreg [dreg:$0x2];
	[bflag:$0x3] =	sbarrier.arrive $0xFFFF;
	s2 =	simm.s32 @!p0 $0x1C02  }
0x3a: {  	[timem:s3], [sflag:s2] =	dma.local @!p0 [hbm:s0], s1  }
0x3b: {  	s0 =	simm.s32 @!p0 $0x2  }
0x3c: {  	_ =	swait.ge @!p0 [sflag:s0], s1  }
0x3d: {  	s1 =	ssub.s32 @!p0 $0x0, s1;
	[sflag:s0] =	ssyncset.done @!p0 $0x0  }
0x3e: {  	[sflag:s0] =	ssyncadd.s32 @!p0 s1  }
0x3f: {  	[bflag:$0x3] =	sbarrier.arrive $0xFFFF  }
0x40: {  	_ =	shalt  }

</sc_bundles>
